<compile_context>
chip_gen: v7x
topology: tpu7x:2x2x1
jax: 0.10.2.dev20260603
libtpu: 0.0.44.dev20260713+nightly
codegen_flags: <defaults>
</compile_context>

<pallas_src>
import functools

import jax
import jax.numpy as jnp
from jax import lax
from jax.experimental import pallas as pl
from jax.experimental.pallas import tpu as pltpu
from jax.experimental.pallas import tpu_sc as plsc

SEQ = 200
HID = 64
POS_LEN = SEQ + 2
BATCH = 4096
NT_ROWS = 40200
CLS_BASE = 40000

NC = 2
NS = 16
NW = NC * NS
P_PER_W = -(-POS_LEN // NW)

BBLK = 512
NBG = BBLK // 16
NBLK = BATCH // BBLK


def _ln_table_body(table_ref, pos_ref, cls_ref, gamma_ref, beta_ref, out_ref):
    s = pl.program_id(0)
    srow = jnp.minimum(s + 2, POS_LEN - 1)
    posrow = pos_ref[pl.ds(srow, 1), :]
    body = table_ref[...] + posrow
    row0 = jnp.broadcast_to(cls_ref[pl.ds(0, 1), :], (SEQ, HID))
    row1 = jnp.broadcast_to(cls_ref[pl.ds(1, 1), :], (SEQ, HID))
    rr = lax.broadcasted_iota(jnp.int32, (SEQ, HID), 0)
    clsx = jnp.where(rr == 0, row0, jnp.where(rr == 1, row1, 0.0))
    x = jnp.where(s < SEQ, body, clsx)
    mean = jnp.mean(x, axis=-1, keepdims=True)
    var = jnp.mean(jnp.square(x - mean), axis=-1, keepdims=True)
    y = (x - mean) * lax.rsqrt(var + 1e-5)
    out_ref[...] = y * gamma_ref[...] + beta_ref[...]


def _build_norm_table(table, pos2, cls_rows, gamma, beta):
    return pl.pallas_call(
        _ln_table_body,
        grid=(SEQ + 1,),
        in_specs=[
            pl.BlockSpec((SEQ, HID), lambda s: (0, 0)),
            pl.BlockSpec((POS_LEN, HID), lambda s: (0, 0)),
            pl.BlockSpec((2, HID), lambda s: (0, 0)),
            pl.BlockSpec((1, HID), lambda s: (0, 0)),
            pl.BlockSpec((1, HID), lambda s: (0, 0)),
        ],
        out_specs=pl.BlockSpec((SEQ, HID), lambda s: (s, 0)),
        out_shape=jax.ShapeDtypeStruct((NT_ROWS, HID), jnp.float32),
    )(table, pos2, cls_rows, gamma.reshape(1, HID), beta.reshape(1, HID))


def _make_sc_emit():
    mesh = plsc.VectorSubcoreMesh(core_axis_name="c", subcore_axis_name="s")

    @functools.partial(
        pl.kernel,
        mesh=mesh,
        compiler_params=pltpu.CompilerParams(use_tc_tiling_on_sc=True,
                                             needs_layout_passes=False),
        out_type=jax.ShapeDtypeStruct((POS_LEN, HID, BATCH), jnp.float32),
        scratch_types=[
            pltpu.VMEM((SEQ * HID,), jnp.float32),
            pltpu.VMEM((BATCH,), jnp.int32),
            pltpu.VMEM((HID, BBLK), jnp.float32),
            pltpu.VMEM((HID, BBLK), jnp.float32),
            pltpu.SemaphoreType.DMA,
            pltpu.SemaphoreType.DMA,
        ],
    )
    def emit_kernel(nt_hbm, ids_hbm, out_hbm, slab_v, ids_v, ob0, ob1,
                    w0, w1):
        wid = lax.axis_index("s") * NC + lax.axis_index("c")
        obs = (ob0, ob1)
        wsem = (w0, w1)

        def do_position(p):
            slab_base = jnp.where(p < 2, CLS_BASE, (p - 2) * SEQ) * HID
            pltpu.sync_copy(nt_hbm.at[pl.ds(slab_base, SEQ * HID)], slab_v)
            pltpu.sync_copy(ids_hbm.at[p], ids_v)

            def wcopy(blk, slot):
                return pltpu.make_async_copy(
                    obs[slot], out_hbm.at[p, :, pl.ds(blk * BBLK, BBLK)],
                    wsem[slot])

            def fill(blk, slot):
                ob = obs[slot]

                def bg_body(g, carry):
                    col = g * 16
                    idx = ids_v[pl.ds(blk * BBLK + col, 16)]
                    f0 = idx * HID

                    def hg_body(hg, carry2):
                        h0 = hg * 8
                        for hh in range(8):
                            h = h0 + hh
                            v = plsc.load_gather(slab_v, [f0 + h])
                            ob[h, pl.ds(col, 16)] = v
                        return carry2

                    lax.fori_loop(0, HID // 8, hg_body, 0)
                    return carry

                lax.fori_loop(0, NBG, bg_body, 0)

            def pair_body(q, carry):
                blk_a = 2 * q
                blk_b = blk_a + 1

                @pl.when(q > 0)
                def _():
                    wcopy(blk_a - 2, 0).wait()
                fill(blk_a, 0)
                wcopy(blk_a, 0).start()

                @pl.when(q > 0)
                def _():
                    wcopy(blk_b - 2, 1).wait()
                fill(blk_b, 1)
                wcopy(blk_b, 1).start()
                return carry

            lax.fori_loop(0, NBLK // 2, pair_body, 0)
            wcopy(NBLK - 2, 0).wait()
            wcopy(NBLK - 1, 1).wait()

        def p_body(j, carry):
            p = wid + j * NW

            @pl.when(p < POS_LEN)
            def _():
                do_position(p)
            return carry

        lax.fori_loop(0, P_PER_W, p_body, 0)

    return emit_kernel


def kernel(input_ids, table, cls_domain, cls_task, pos_encoding, gamma, beta):
    pos2 = pos_encoding.reshape(POS_LEN, HID)
    cls_rows = jnp.concatenate(
        [cls_domain.reshape(1, HID) + pos2[0:1],
         cls_task.reshape(1, HID) + pos2[1:2]], axis=0)

    nt = _build_norm_table(table, pos2, cls_rows, gamma, beta)
    nt1d = nt.reshape(NT_ROWS * HID)

    ids = input_ids.astype(jnp.int32)
    ids_t = jnp.concatenate(
        [jnp.zeros((1, BATCH), jnp.int32),
         jnp.ones((1, BATCH), jnp.int32),
         ids.T], axis=0)

    out3 = _make_sc_emit()(nt1d, ids_t)
    return jnp.transpose(out3, (2, 0, 1))

# --- scband reference (transcript-rebuilt; emitter-appended) ---
"""Pipeline reference for scband-name-embedding-60095182406153 (READ-ONLY COPY).

The authoritative reference and input builder live on the scoring server;
editing this copy changes nothing except your own understanding.
"""

import jax, jax.numpy as jnp
import numpy as np
import math

SEQ_LEN = 200
HIDDEN = 64
BATCH = 4096


def _sinusoidal_pos_encoding(max_length, dim):
    position = np.arange(0, max_length, dtype=np.float32)[:, None]
    div_term = np.exp(np.arange(0, dim, 2, dtype=np.float32) * -(math.log(10000.0) / dim))
    pe = np.zeros((max_length, dim), dtype=np.float32)
    pe[:, 0::2] = np.sin(position * div_term)
    pe[:, 1::2] = np.cos(position * div_term)
    return jnp.asarray(pe)[None, :, :]


def setup_inputs(seed: int = 0) -> dict:
    key = jax.random.key(seed)
    k0, k1, k2, k3 = jax.random.split(key, 4)
    input_ids = jax.random.randint(k0, (BATCH, SEQ_LEN), 0, SEQ_LEN, dtype=jnp.int64 if jax.config.jax_enable_x64 else jnp.int32)
    table = jax.random.normal(k1, (SEQ_LEN, HIDDEN), dtype=jnp.float32)
    cls_domain = jax.random.normal(k2, (1, 1, HIDDEN), dtype=jnp.float32)
    cls_task = jax.random.normal(k3, (1, 1, HIDDEN), dtype=jnp.float32)
    gamma = jnp.ones((HIDDEN,), dtype=jnp.float32)
    beta = jnp.zeros((HIDDEN,), dtype=jnp.float32)
    pos_encoding = _sinusoidal_pos_encoding(SEQ_LEN + 2, HIDDEN)
    return {
        'input_ids': input_ids,
        'table': table,
        'cls_domain': cls_domain,
        'cls_task': cls_task,
        'pos_encoding': pos_encoding,
        'gamma': gamma,
        'beta': beta,
    }


def reference(input_ids, table, cls_domain, cls_task, pos_encoding, gamma, beta):
    b = input_ids.shape[0]
    # embedding gather
    x = jnp.take(table, input_ids, axis=0)  # (B, S, H)
    domain_tok = jnp.broadcast_to(cls_domain, (b, 1, HIDDEN))
    task_tok = jnp.broadcast_to(cls_task, (b, 1, HIDDEN))
    x = jnp.concatenate([domain_tok, task_tok, x], axis=1)  # (B, S+2, H)
    x = x + pos_encoding
    # LayerNorm over last dim (torch default eps=1e-5, biased variance)
    mean = jnp.mean(x, axis=-1, keepdims=True)
    var = jnp.mean(jnp.square(x - mean), axis=-1, keepdims=True)
    x = (x - mean) / jnp.sqrt(var + 1e-5)
    x = x * gamma + beta
    # dropout is identity in eval mode
    return x

if __name__ == "__main__":
    import jax
    _d = setup_inputs()
    print(jax.jit(kernel)(*tuple(_d.values())))

</pallas_src>

<mosaic_0001>
#map = affine_map<(d0, d1) -> (0)>
#map1 = affine_map<(d0, d1) -> (0, 0)>
#map2 = affine_map<(d0, d1) -> (0, 0, 0)>
module attributes {stable_mosaic.version = 14 : i64} {
  func.func @emit_kernel(%arg0: i32, %arg1: i32, %arg2: memref<2572800xf32, #tpu.memory_space<hbm>>, %arg3: memref<202x4096xi32, #tpu.memory_space<hbm>>, %arg4: memref<202x64x4096xf32, #tpu.memory_space<hbm>>, %arg5: memref<12800xf32, #tpu.memory_space<vmem>>, %arg6: memref<4096xi32, #tpu.memory_space<vmem>>, %arg7: memref<64x512xf32, #tpu.memory_space<vmem>>, %arg8: memref<64x512xf32, #tpu.memory_space<vmem>>, %arg9: memref<!tpu.dma_semaphore, #tpu.memory_space<semaphore_mem>>, %arg10: memref<!tpu.dma_semaphore, #tpu.memory_space<semaphore_mem>>) attributes {dimension_semantics = [#tpu.dimension_semantics<core_parallel>, #tpu.dimension_semantics<subcore_parallel>], iteration_bounds = array<i64: 2, 16>, scalar_prefetch = 0 : i64, scratch_operands = 6 : i64, tpu.core_type = #tpu.core_type<sc_vector_subcore>, window_params = [{transform_indices = #map}, {transform_indices = #map1}, {transform_indices = #map2}]} {
    %mul3A = arith.constant 2 : i32
    %mul3A_0 = arith.muli %arg1, %mul3A : i32
    %add3A = arith.addi %mul3A_0, %arg0 : i32
    %scan3A = arith.constant 0 : i32
    %scan3A_1 = arith.constant 0 : i32
    %scan3A_2 = arith.constant 7 : i32
    %scan3A_3 = arith.addi %scan3A_1, %scan3A_2 : i32
    %scan3A_4 = arith.constant 1 : i32
    scf.for %scan3A_6 = %scan3A_1 to %scan3A_3 step %scan3A_4  : i32 {
      %mul3A_7 = arith.constant 32 : i32
      %mul3A_8 = arith.muli %scan3A_6, %mul3A_7 : i32
      %add3A_9 = arith.addi %add3A, %mul3A_8 : i32
      %lt3A = arith.constant 202 : i32
      %lt3A_10 = arith.cmpi slt, %add3A_9, %lt3A : i32
      %convert_element_type3A = arith.extui %lt3A_10 : i1 to i32
      %cond3A = arith.constant 0 : i32
      %cond3A_11 = arith.cmpi ne, %convert_element_type3A, %cond3A : i32
      scf.if %cond3A_11 {
        %lt3A_12 = arith.constant 2 : i32
        %lt3A_13 = arith.cmpi slt, %add3A_9, %lt3A_12 : i32
        %sub3A = arith.constant 2 : i32
        %sub3A_14 = arith.subi %add3A_9, %sub3A : i32
        %mul3A_15 = arith.constant 200 : i32
        %mul3A_16 = arith.muli %sub3A_14, %mul3A_15 : i32
        %jit3A = arith.constant 40000 : i32
        %select_n3A = arith.select %lt3A_13, %jit3A, %mul3A_16 : i32
        %mul3A_17 = arith.constant 64 : i32
        %mul3A_18 = arith.muli %select_n3A, %mul3A_17 : i32
        "tpu.region"() ({
          %run_scoped3A = tpu.sem_alloc : memref<!tpu.dma_semaphore, #tpu.memory_space<semaphore_mem>>
          %dma_start3A = tpu.memref_slice %arg2[%mul3A_18] : memref<2572800xf32, #tpu.memory_space<hbm>> -> memref<12800xf32, #tpu.memory_space<hbm>>
          %dma_start3A_40 = tpu.memref_slice %arg2[%mul3A_18] : memref<2572800xf32, #tpu.memory_space<hbm>> -> memref<12800xf32, #tpu.memory_space<hbm>>
          tpu.enqueue_dma source(%dma_start3A_40 : memref<12800xf32, #tpu.memory_space<hbm>>) target(%arg5 : memref<12800xf32, #tpu.memory_space<vmem>>) target_semaphore(%run_scoped3A : memref<!tpu.dma_semaphore, #tpu.memory_space<semaphore_mem>>)
          %dma_wait3A_41 = tpu.memref_slice %arg2[%mul3A_18] : memref<2572800xf32, #tpu.memory_space<hbm>> -> memref<12800xf32, #tpu.memory_space<hbm>>
          %dma_wait3A_42 = tpu.memref_slice %arg2[%mul3A_18] : memref<2572800xf32, #tpu.memory_space<hbm>> -> memref<12800xf32, #tpu.memory_space<hbm>>
          tpu.wait_dma2 semaphore(%run_scoped3A : memref<!tpu.dma_semaphore, #tpu.memory_space<semaphore_mem>>) src(%dma_wait3A_42 : memref<12800xf32, #tpu.memory_space<hbm>>) dst(%arg5 : memref<12800xf32, #tpu.memory_space<vmem>>)
          tpu.yield
        }) : () -> ()
        "tpu.region"() ({
          %run_scoped3A = tpu.sem_alloc : memref<!tpu.dma_semaphore, #tpu.memory_space<semaphore_mem>>
          %dma_start3A = arith.constant 0 : i32
          %dma_start3A_40 = tpu.memref_slice %arg3[%add3A_9, %dma_start3A] : memref<202x4096xi32, #tpu.memory_space<hbm>> -> memref<1x4096xi32, #tpu.memory_space<hbm>>
          %dma_start3A_41 = tpu.memref_squeeze %dma_start3A_40 : memref<1x4096xi32, #tpu.memory_space<hbm>> -> memref<4096xi32, #tpu.memory_space<hbm>>
          %dma_start3A_42 = arith.constant 0 : i32
          %dma_start3A_43 = tpu.memref_slice %arg3[%add3A_9, %dma_start3A_42] : memref<202x4096xi32, #tpu.memory_space<hbm>> -> memref<1x4096xi32, #tpu.memory_space<hbm>>
          %dma_start3A_44 = tpu.memref_squeeze %dma_start3A_43 : memref<1x4096xi32, #tpu.memory_space<hbm>> -> memref<4096xi32, #tpu.memory_space<hbm>>
          tpu.enqueue_dma source(%dma_start3A_44 : memref<4096xi32, #tpu.memory_space<hbm>>) target(%arg6 : memref<4096xi32, #tpu.memory_space<vmem>>) target_semaphore(%run_scoped3A : memref<!tpu.dma_semaphore, #tpu.memory_space<semaphore_mem>>)
          %dma_wait3A_45 = arith.constant 0 : i32
          %dma_wait3A_46 = tpu.memref_slice %arg3[%add3A_9, %dma_wait3A_45] : memref<202x4096xi32, #tpu.memory_space<hbm>> -> memref<1x4096xi32, #tpu.memory_space<hbm>>
          %dma_wait3A_47 = tpu.memref_squeeze %dma_wait3A_46 : memref<1x4096xi32, #tpu.memory_space<hbm>> -> memref<4096xi32, #tpu.memory_space<hbm>>
          %dma_wait3A_48 = arith.constant 0 : i32
          %dma_wait3A_49 = tpu.memref_slice %arg3[%add3A_9, %dma_wait3A_48] : memref<202x4096xi32, #tpu.memory_space<hbm>> -> memref<1x4096xi32, #tpu.memory_space<hbm>>
          %dma_wait3A_50 = tpu.memref_squeeze %dma_wait3A_49 : memref<1x4096xi32, #tpu.memory_space<hbm>> -> memref<4096xi32, #tpu.memory_space<hbm>>
          tpu.wait_dma2 semaphore(%run_scoped3A : memref<!tpu.dma_semaphore, #tpu.memory_space<semaphore_mem>>) src(%dma_wait3A_50 : memref<4096xi32, #tpu.memory_space<hbm>>) dst(%arg6 : memref<4096xi32, #tpu.memory_space<vmem>>)
          tpu.yield
        }) : () -> ()
        %scan3A_19 = arith.constant 0 : i32
        %scan3A_20 = arith.constant 0 : i32
        %scan3A_21 = arith.constant 4 : i32
        %scan3A_22 = arith.addi %scan3A_20, %scan3A_21 : i32
        %scan3A_23 = arith.constant 1 : i32
        scf.for %scan3A_40 = %scan3A_20 to %scan3A_22 step %scan3A_23  : i32 {
          %mul3A_41 = arith.constant 2 : i32
          %mul3A_42 = arith.muli %mul3A_41, %scan3A_40 : i32
          %add3A_43 = arith.constant 1 : i32
          %add3A_44 = arith.addi %mul3A_42, %add3A_43 : i32
          %gt3A = arith.constant 0 : i32
          %gt3A_45 = arith.cmpi sgt, %scan3A_40, %gt3A : i32
          %convert_element_type3A_46 = arith.extui %gt3A_45 : i1 to i32
          %cond3A_47 = arith.constant 0 : i32
          %cond3A_48 = arith.cmpi ne, %convert_element_type3A_46, %cond3A_47 : i32
          scf.if %cond3A_48 {
            %sub3A_81 = arith.constant 2 : i32
            %sub3A_82 = arith.subi %mul3A_42, %sub3A_81 : i32
            %mul3A_83 = arith.constant 512 : i32
            %mul3A_84 = arith.muli %sub3A_82, %mul3A_83 : i32
            %dma_wait3A_85 = arith.constant 0 : i32
            %dma_wait3A_86 = tpu.memref_slice %arg4[%add3A_9, %dma_wait3A_85, %mul3A_84] : memref<202x64x4096xf32, #tpu.memory_space<hbm>> -> memref<1x64x512xf32, #tpu.memory_space<hbm>>
            %dma_wait3A_87 = tpu.memref_squeeze %dma_wait3A_86 : memref<1x64x512xf32, #tpu.memory_space<hbm>> -> memref<64x512xf32, #tpu.memory_space<hbm>>
            %dma_wait3A_88 = arith.constant 0 : i32
            %dma_wait3A_89 = tpu.memref_slice %arg4[%add3A_9, %dma_wait3A_88, %mul3A_84] : memref<202x64x4096xf32, #tpu.memory_space<hbm>> -> memref<1x64x512xf32, #tpu.memory_space<hbm>>
            %dma_wait3A_90 = tpu.memref_squeeze %dma_wait3A_89 : memref<1x64x512xf32, #tpu.memory_space<hbm>> -> memref<64x512xf32, #tpu.memory_space<hbm>>
            tpu.wait_dma2 semaphore(%arg9 : memref<!tpu.dma_semaphore, #tpu.memory_space<semaphore_mem>>) src(%arg7 : memref<64x512xf32, #tpu.memory_space<vmem>>) dst(%dma_wait3A_90 : memref<64x512xf32, #tpu.memory_space<hbm>>)
          } else {
          }
          %scan3A_49 = arith.constant 0 : i32
          %scan3A_50 = arith.constant 0 : i32
          %scan3A_51 = arith.constant 32 : i32
          %scan3A_52 = arith.addi %scan3A_50, %scan3A_51 : i32
          %scan3A_53 = arith.constant 1 : i32
          scf.for %scan3A_81 = %scan3A_50 to %scan3A_52 step %scan3A_53  : i32 {
            %mul3A_82 = arith.constant 16 : i32
            %mul3A_83 = arith.muli %scan3A_81, %mul3A_82 : i32
            %mul3A_84 = arith.constant 512 : i32
            %mul3A_85 = arith.muli %mul3A_42, %mul3A_84 : i32
            %add3A_86 = arith.addi %mul3A_85, %mul3A_83 : i32
            %get3A = arith.index_cast %add3A_86 : i32 to index
            %get3A_87 = tpu.vector_load %arg6[%get3A] {strides = array<i32>} : memref<4096xi32, #tpu.memory_space<vmem>>, vector<16xi32>,
            %mul3A_88 = arith.constant 64 : i32
            %mul3A_89 = vector.broadcast %mul3A_88 : i32 to vector<16xi32>
            %mul3A_90 = arith.muli %get3A_87, %mul3A_89 : vector<16xi32>
            %scan3A_91 = arith.constant 0 : i32
            %scan3A_92 = arith.constant 0 : i32
            %scan3A_93 = arith.constant 8 : i32
            %scan3A_94 = arith.addi %scan3A_92, %scan3A_93 : i32
            %scan3A_95 = arith.constant 1 : i32
            scf.for %scan3A_97 = %scan3A_92 to %scan3A_94 step %scan3A_95  : i32 {
              %mul3A_98 = arith.constant 8 : i32
              %mul3A_99 = arith.muli %scan3A_97, %mul3A_98 : i32
              %add3A_100 = arith.constant 0 : i32
              %add3A_101 = arith.addi %mul3A_99, %add3A_100 : i32
              %add3A_102 = vector.broadcast %add3A_101 : i32 to vector<16xi32>
              %add3A_103 = arith.addi %mul3A_90, %add3A_102 : vector<16xi32>
              %gather3A = tpu.vector_load_idx %arg5[%add3A_103] : memref<12800xf32, #tpu.memory_space<vmem>>[vector<16xi32>], vector<16xf32>,
              %swap3A = arith.index_cast %add3A_101 : i32 to index
              %swap3A_104 = arith.index_cast %mul3A_83 : i32 to index
              %swap3A_105 = tpu.vector_load %arg7[%swap3A, %swap3A_104] {strides = array<i32>} : memref<64x512xf32, #tpu.memory_space<vmem>>, vector<16xf32>,
              tpu.vector_store %arg7[%swap3A, %swap3A_104], %gather3A {strides = array<i32>} : memref<64x512xf32, #tpu.memory_space<vmem>>, vector<16xf32>,
              %add3A_106 = arith.constant 1 : i32
              %add3A_107 = arith.addi %mul3A_99, %add3A_106 : i32
              %add3A_108 = vector.broadcast %add3A_107 : i32 to vector<16xi32>
              %add3A_109 = arith.addi %mul3A_90, %add3A_108 : vector<16xi32>
              %gather3A_110 = tpu.vector_load_idx %arg5[%add3A_109] : memref<12800xf32, #tpu.memory_space<vmem>>[vector<16xi32>], vector<16xf32>,
              %swap3A_111 = arith.index_cast %add3A_107 : i32 to index
              %swap3A_112 = arith.index_cast %mul3A_83 : i32 to index
              %swap3A_113 = tpu.vector_load %arg7[%swap3A_111, %swap3A_112] {strides = array<i32>} : memref<64x512xf32, #tpu.memory_space<vmem>>, vector<16xf32>,
              tpu.vector_store %arg7[%swap3A_111, %swap3A_112], %gather3A_110 {strides = array<i32>} : memref<64x512xf32, #tpu.memory_space<vmem>>, vector<16xf32>,
              %add3A_114 = arith.constant 2 : i32
              %add3A_115 = arith.addi %mul3A_99, %add3A_114 : i32
              %add3A_116 = vector.broadcast %add3A_115 : i32 to vector<16xi32>
              %add3A_117 = arith.addi %mul3A_90, %add3A_116 : vector<16xi32>
              %gather3A_118 = tpu.vector_load_idx %arg5[%add3A_117] : memref<12800xf32, #tpu.memory_space<vmem>>[vector<16xi32>], vector<16xf32>,
              %swap3A_119 = arith.index_cast %add3A_115 : i32 to index
              %swap3A_120 = arith.index_cast %mul3A_83 : i32 to index
              %swap3A_121 = tpu.vector_load %arg7[%swap3A_119, %swap3A_120] {strides = array<i32>} : memref<64x512xf32, #tpu.memory_space<vmem>>, vector<16xf32>,
              tpu.vector_store %arg7[%swap3A_119, %swap3A_120], %gather3A_118 {strides = array<i32>} : memref<64x512xf32, #tpu.memory_space<vmem>>, vector<16xf32>,
              %add3A_122 = arith.constant 3 : i32
              %add3A_123 = arith.addi %mul3A_99, %add3A_122 : i32
              %add3A_124 = vector.broadcast %add3A_123 : i32 to vector<16xi32>
              %add3A_125 = arith.addi %mul3A_90, %add3A_124 : vector<16xi32>
              %gather3A_126 = tpu.vector_load_idx %arg5[%add3A_125] : memref<12800xf32, #tpu.memory_space<vmem>>[vector<16xi32>], vector<16xf32>,
              %swap3A_127 = arith.index_cast %add3A_123 : i32 to index
              %swap3A_128 = arith.index_cast %mul3A_83 : i32 to index
              %swap3A_129 = tpu.vector_load %arg7[%swap3A_127, %swap3A_128] {strides = array<i32>} : memref<64x512xf32, #tpu.memory_space<vmem>>, vector<16xf32>,
              tpu.vector_store %arg7[%swap3A_127, %swap3A_128], %gather3A_126 {strides = array<i32>} : memref<64x512xf32, #tpu.memory_space<vmem>>, vector<16xf32>,
              %add3A_130 = arith.constant 4 : i32
              %add3A_131 = arith.addi %mul3A_99, %add3A_130 : i32
              %add3A_132 = vector.broadcast %add3A_131 : i32 to vector<16xi32>
              %add3A_133 = arith.addi %mul3A_90, %add3A_132 : vector<16xi32>
              %gather3A_134 = tpu.vector_load_idx %arg5[%add3A_133] : memref<12800xf32, #tpu.memory_space<vmem>>[vector<16xi32>], vector<16xf32>,
              %swap3A_135 = arith.index_cast %add3A_131 : i32 to index
              %swap3A_136 = arith.index_cast %mul3A_83 : i32 to index
              %swap3A_137 = tpu.vector_load %arg7[%swap3A_135, %swap3A_136] {strides = array<i32>} : memref<64x512xf32, #tpu.memory_space<vmem>>, vector<16xf32>,
              tpu.vector_store %arg7[%swap3A_135, %swap3A_136], %gather3A_134 {strides = array<i32>} : memref<64x512xf32, #tpu.memory_space<vmem>>, vector<16xf32>,
              %add3A_138 = arith.constant 5 : i32
              %add3A_139 = arith.addi %mul3A_99, %add3A_138 : i32
              %add3A_140 = vector.broadcast %add3A_139 : i32 to vector<16xi32>
              %add3A_141 = arith.addi %mul3A_90, %add3A_140 : vector<16xi32>
              %gather3A_142 = tpu.vector_load_idx %arg5[%add3A_141] : memref<12800xf32, #tpu.memory_space<vmem>>[vector<16xi32>], vector<16xf32>,
              %swap3A_143 = arith.index_cast %add3A_139 : i32 to index
              %swap3A_144 = arith.index_cast %mul3A_83 : i32 to index
              %swap3A_145 = tpu.vector_load %arg7[%swap3A_143, %swap3A_144] {strides = array<i32>} : memref<64x512xf32, #tpu.memory_space<vmem>>, vector<16xf32>,
              tpu.vector_store %arg7[%swap3A_143, %swap3A_144], %gather3A_142 {strides = array<i32>} : memref<64x512xf32, #tpu.memory_space<vmem>>, vector<16xf32>,
              %add3A_146 = arith.constant 6 : i32
              %add3A_147 = arith.addi %mul3A_99, %add3A_146 : i32
              %add3A_148 = vector.broadcast %add3A_147 : i32 to vector<16xi32>
              %add3A_149 = arith.addi %mul3A_90, %add3A_148 : vector<16xi32>
              %gather3A_150 = tpu.vector_load_idx %arg5[%add3A_149] : memref<12800xf32, #tpu.memory_space<vmem>>[vector<16xi32>], vector<16xf32>,
              %swap3A_151 = arith.index_cast %add3A_147 : i32 to index
              %swap3A_152 = arith.index_cast %mul3A_83 : i32 to index
              %swap3A_153 = tpu.vector_load %arg7[%swap3A_151, %swap3A_152] {strides = array<i32>} : memref<64x512xf32, #tpu.memory_space<vmem>>, vector<16xf32>,
              tpu.vector_store %arg7[%swap3A_151, %swap3A_152], %gather3A_150 {strides = array<i32>} : memref<64x512xf32, #tpu.memory_space<vmem>>, vector<16xf32>,
              %add3A_154 = arith.constant 7 : i32
              %add3A_155 = arith.addi %mul3A_99, %add3A_154 : i32
              %add3A_156 = vector.broadcast %add3A_155 : i32 to vector<16xi32>
              %add3A_157 = arith.addi %mul3A_90, %add3A_156 : vector<16xi32>
              %gather3A_158 = tpu.vector_load_idx %arg5[%add3A_157] : memref<12800xf32, #tpu.memory_space<vmem>>[vector<16xi32>], vector<16xf32>,
              %swap3A_159 = arith.index_cast %add3A_155 : i32 to index
              %swap3A_160 = arith.index_cast %mul3A_83 : i32 to index
              %swap3A_161 = tpu.vector_load %arg7[%swap3A_159, %swap3A_160] {strides = array<i32>} : memref<64x512xf32, #tpu.memory_space<vmem>>, vector<16xf32>,
              tpu.vector_store %arg7[%swap3A_159, %swap3A_160], %gather3A_158 {strides = array<i32>} : memref<64x512xf32, #tpu.memory_space<vmem>>, vector<16xf32>,
            }
            %scan3A_96 = arith.constant 8 : i32
          }
          %scan3A_54 = arith.constant 32 : i32
          %mul3A_55 = arith.constant 512 : i32
          %mul3A_56 = arith.muli %mul3A_42, %mul3A_55 : i32
          %dma_start3A = arith.constant 0 : i32
          %dma_start3A_57 = tpu.memref_slice %arg4[%add3A_9, %dma_start3A, %mul3A_56] : memref<202x64x4096xf32, #tpu.memory_space<hbm>> -> memref<1x64x512xf32, #tpu.memory_space<hbm>>
          %dma_start3A_58 = tpu.memref_squeeze %dma_start3A_57 : memref<1x64x512xf32, #tpu.memory_space<hbm>> -> memref<64x512xf32, #tpu.memory_space<hbm>>
          %dma_start3A_59 = arith.constant 0 : i32
          %dma_start3A_60 = tpu.memref_slice %arg4[%add3A_9, %dma_start3A_59, %mul3A_56] : memref<202x64x4096xf32, #tpu.memory_space<hbm>> -> memref<1x64x512xf32, #tpu.memory_space<hbm>>
          %dma_start3A_61 = tpu.memref_squeeze %dma_start3A_60 : memref<1x64x512xf32, #tpu.memory_space<hbm>> -> memref<64x512xf32, #tpu.memory_space<hbm>>
          tpu.enqueue_dma source(%arg7 : memref<64x512xf32, #tpu.memory_space<vmem>>) target(%dma_start3A_61 : memref<64x512xf32, #tpu.memory_space<hbm>>) target_semaphore(%arg9 : memref<!tpu.dma_semaphore, #tpu.memory_space<semaphore_mem>>)
          %gt3A_62 = arith.constant 0 : i32
          %gt3A_63 = arith.cmpi sgt, %scan3A_40, %gt3A_62 : i32
          %convert_element_type3A_64 = arith.extui %gt3A_63 : i1 to i32
          %cond3A_65 = arith.constant 0 : i32
          %cond3A_66 = arith.cmpi ne, %convert_element_type3A_64, %cond3A_65 : i32
          scf.if %cond3A_66 {
            %sub3A_81 = arith.constant 2 : i32
            %sub3A_82 = arith.subi %add3A_44, %sub3A_81 : i32
            %mul3A_83 = arith.constant 512 : i32
            %mul3A_84 = arith.muli %sub3A_82, %mul3A_83 : i32
            %dma_wait3A_85 = arith.constant 0 : i32
            %dma_wait3A_86 = tpu.memref_slice %arg4[%add3A_9, %dma_wait3A_85, %mul3A_84] : memref<202x64x4096xf32, #tpu.memory_space<hbm>> -> memref<1x64x512xf32, #tpu.memory_space<hbm>>
            %dma_wait3A_87 = tpu.memref_squeeze %dma_wait3A_86 : memref<1x64x512xf32, #tpu.memory_space<hbm>> -> memref<64x512xf32, #tpu.memory_space<hbm>>
            %dma_wait3A_88 = arith.constant 0 : i32
            %dma_wait3A_89 = tpu.memref_slice %arg4[%add3A_9, %dma_wait3A_88, %mul3A_84] : memref<202x64x4096xf32, #tpu.memory_space<hbm>> -> memref<1x64x512xf32, #tpu.memory_space<hbm>>
            %dma_wait3A_90 = tpu.memref_squeeze %dma_wait3A_89 : memref<1x64x512xf32, #tpu.memory_space<hbm>> -> memref<64x512xf32, #tpu.memory_space<hbm>>
            tpu.wait_dma2 semaphore(%arg10 : memref<!tpu.dma_semaphore, #tpu.memory_space<semaphore_mem>>) src(%arg8 : memref<64x512xf32, #tpu.memory_space<vmem>>) dst(%dma_wait3A_90 : memref<64x512xf32, #tpu.memory_space<hbm>>)
          } else {
          }
          %scan3A_67 = arith.constant 0 : i32
          %scan3A_68 = arith.constant 0 : i32
          %scan3A_69 = arith.constant 32 : i32
          %scan3A_70 = arith.addi %scan3A_68, %scan3A_69 : i32
          %scan3A_71 = arith.constant 1 : i32
          scf.for %scan3A_81 = %scan3A_68 to %scan3A_70 step %scan3A_71  : i32 {
            %mul3A_82 = arith.constant 16 : i32
            %mul3A_83 = arith.muli %scan3A_81, %mul3A_82 : i32
            %mul3A_84 = arith.constant 512 : i32
            %mul3A_85 = arith.muli %add3A_44, %mul3A_84 : i32
            %add3A_86 = arith.addi %mul3A_85, %mul3A_83 : i32
            %get3A = arith.index_cast %add3A_86 : i32 to index
            %get3A_87 = tpu.vector_load %arg6[%get3A] {strides = array<i32>} : memref<4096xi32, #tpu.memory_space<vmem>>, vector<16xi32>,
            %mul3A_88 = arith.constant 64 : i32
            %mul3A_89 = vector.broadcast %mul3A_88 : i32 to vector<16xi32>
            %mul3A_90 = arith.muli %get3A_87, %mul3A_89 : vector<16xi32>
            %scan3A_91 = arith.constant 0 : i32
            %scan3A_92 = arith.constant 0 : i32
            %scan3A_93 = arith.constant 8 : i32
            %scan3A_94 = arith.addi %scan3A_92, %scan3A_93 : i32
            %scan3A_95 = arith.constant 1 : i32
            scf.for %scan3A_97 = %scan3A_92 to %scan3A_94 step %scan3A_95  : i32 {
              %mul3A_98 = arith.constant 8 : i32
              %mul3A_99 = arith.muli %scan3A_97, %mul3A_98 : i32
              %add3A_100 = arith.constant 0 : i32
              %add3A_101 = arith.addi %mul3A_99, %add3A_100 : i32
              %add3A_102 = vector.broadcast %add3A_101 : i32 to vector<16xi32>
              %add3A_103 = arith.addi %mul3A_90, %add3A_102 : vector<16xi32>
              %gather3A = tpu.vector_load_idx %arg5[%add3A_103] : memref<12800xf32, #tpu.memory_space<vmem>>[vector<16xi32>], vector<16xf32>,
              %swap3A = arith.index_cast %add3A_101 : i32 to index
              %swap3A_104 = arith.index_cast %mul3A_83 : i32 to index
              %swap3A_105 = tpu.vector_load %arg8[%swap3A, %swap3A_104] {strides = array<i32>} : memref<64x512xf32, #tpu.memory_space<vmem>>, vector<16xf32>,
              tpu.vector_store %arg8[%swap3A, %swap3A_104], %gather3A {strides = array<i32>} : memref<64x512xf32, #tpu.memory_space<vmem>>, vector<16xf32>,
              %add3A_106 = arith.constant 1 : i32
              %add3A_107 = arith.addi %mul3A_99, %add3A_106 : i32
              %add3A_108 = vector.broadcast %add3A_107 : i32 to vector<16xi32>
              %add3A_109 = arith.addi %mul3A_90, %add3A_108 : vector<16xi32>
              %gather3A_110 = tpu.vector_load_idx %arg5[%add3A_109] : memref<12800xf32, #tpu.memory_space<vmem>>[vector<16xi32>], vector<16xf32>,
              %swap3A_111 = arith.index_cast %add3A_107 : i32 to index
              %swap3A_112 = arith.index_cast %mul3A_83 : i32 to index
              %swap3A_113 = tpu.vector_load %arg8[%swap3A_111, %swap3A_112] {strides = array<i32>} : memref<64x512xf32, #tpu.memory_space<vmem>>, vector<16xf32>,
              tpu.vector_store %arg8[%swap3A_111, %swap3A_112], %gather3A_110 {strides = array<i32>} : memref<64x512xf32, #tpu.memory_space<vmem>>, vector<16xf32>,
              %add3A_114 = arith.constant 2 : i32
              %add3A_115 = arith.addi %mul3A_99, %add3A_114 : i32
              %add3A_116 = vector.broadcast %add3A_115 : i32 to vector<16xi32>
              %add3A_117 = arith.addi %mul3A_90, %add3A_116 : vector<16xi32>
              %gather3A_118 = tpu.vector_load_idx %arg5[%add3A_117] : memref<12800xf32, #tpu.memory_space<vmem>>[vector<16xi32>], vector<16xf32>,
              %swap3A_119 = arith.index_cast %add3A_115 : i32 to index
              %swap3A_120 = arith.index_cast %mul3A_83 : i32 to index
              %swap3A_121 = tpu.vector_load %arg8[%swap3A_119, %swap3A_120] {strides = array<i32>} : memref<64x512xf32, #tpu.memory_space<vmem>>, vector<16xf32>,
              tpu.vector_store %arg8[%swap3A_119, %swap3A_120], %gather3A_118 {strides = array<i32>} : memref<64x512xf32, #tpu.memory_space<vmem>>, vector<16xf32>,
              %add3A_122 = arith.constant 3 : i32
              %add3A_123 = arith.addi %mul3A_99, %add3A_122 : i32
              %add3A_124 = vector.broadcast %add3A_123 : i32 to vector<16xi32>
              %add3A_125 = arith.addi %mul3A_90, %add3A_124 : vector<16xi32>
              %gather3A_126 = tpu.vector_load_idx %arg5[%add3A_125] : memref<12800xf32, #tpu.memory_space<vmem>>[vector<16xi32>], vector<16xf32>,
              %swap3A_127 = arith.index_cast %add3A_123 : i32 to index
              %swap3A_128 = arith.index_cast %mul3A_83 : i32 to index
              %swap3A_129 = tpu.vector_load %arg8[%swap3A_127, %swap3A_128] {strides = array<i32>} : memref<64x512xf32, #tpu.memory_space<vmem>>, vector<16xf32>,
              tpu.vector_store %arg8[%swap3A_127, %swap3A_128], %gather3A_126 {strides = array<i32>} : memref<64x512xf32, #tpu.memory_space<vmem>>, vector<16xf32>,
              %add3A_130 = arith.constant 4 : i32
              %add3A_131 = arith.addi %mul3A_99, %add3A_130 : i32
              %add3A_132 = vector.broadcast %add3A_131 : i32 to vector<16xi32>
              %add3A_133 = arith.addi %mul3A_90, %add3A_132 : vector<16xi32>
              %gather3A_134 = tpu.vector_load_idx %arg5[%add3A_133] : memref<12800xf32, #tpu.memory_space<vmem>>[vector<16xi32>], vector<16xf32>,
              %swap3A_135 = arith.index_cast %add3A_131 : i32 to index
              %swap3A_136 = arith.index_cast %mul3A_83 : i32 to index
              %swap3A_137 = tpu.vector_load %arg8[%swap3A_135, %swap3A_136] {strides = array<i32>} : memref<64x512xf32, #tpu.memory_space<vmem>>, vector<16xf32>,
              tpu.vector_store %arg8[%swap3A_135, %swap3A_136], %gather3A_134 {strides = array<i32>} : memref<64x512xf32, #tpu.memory_space<vmem>>, vector<16xf32>,
              %add3A_138 = arith.constant 5 : i32
              %add3A_139 = arith.addi %mul3A_99, %add3A_138 : i32
              %add3A_140 = vector.broadcast %add3A_139 : i32 to vector<16xi32>
              %add3A_141 = arith.addi %mul3A_90, %add3A_140 : vector<16xi32>
              %gather3A_142 = tpu.vector_load_idx %arg5[%add3A_141] : memref<12800xf32, #tpu.memory_space<vmem>>[vector<16xi32>], vector<16xf32>,
              %swap3A_143 = arith.index_cast %add3A_139 : i32 to index
              %swap3A_144 = arith.index_cast %mul3A_83 : i32 to index
              %swap3A_145 = tpu.vector_load %arg8[%swap3A_143, %swap3A_144] {strides = array<i32>} : memref<64x512xf32, #tpu.memory_space<vmem>>, vector<16xf32>,
              tpu.vector_store %arg8[%swap3A_143, %swap3A_144], %gather3A_142 {strides = array<i32>} : memref<64x512xf32, #tpu.memory_space<vmem>>, vector<16xf32>,
              %add3A_146 = arith.constant 6 : i32
              %add3A_147 = arith.addi %mul3A_99, %add3A_146 : i32
              %add3A_148 = vector.broadcast %add3A_147 : i32 to vector<16xi32>
              %add3A_149 = arith.addi %mul3A_90, %add3A_148 : vector<16xi32>
              %gather3A_150 = tpu.vector_load_idx %arg5[%add3A_149] : memref<12800xf32, #tpu.memory_space<vmem>>[vector<16xi32>], vector<16xf32>,
              %swap3A_151 = arith.index_cast %add3A_147 : i32 to index
              %swap3A_152 = arith.index_cast %mul3A_83 : i32 to index
              %swap3A_153 = tpu.vector_load %arg8[%swap3A_151, %swap3A_152] {strides = array<i32>} : memref<64x512xf32, #tpu.memory_space<vmem>>, vector<16xf32>,
              tpu.vector_store %arg8[%swap3A_151, %swap3A_152], %gather3A_150 {strides = array<i32>} : memref<64x512xf32, #tpu.memory_space<vmem>>, vector<16xf32>,
              %add3A_154 = arith.constant 7 : i32
              %add3A_155 = arith.addi %mul3A_99, %add3A_154 : i32
              %add3A_156 = vector.broadcast %add3A_155 : i32 to vector<16xi32>
              %add3A_157 = arith.addi %mul3A_90, %add3A_156 : vector<16xi32>
              %gather3A_158 = tpu.vector_load_idx %arg5[%add3A_157] : memref<12800xf32, #tpu.memory_space<vmem>>[vector<16xi32>], vector<16xf32>,
              %swap3A_159 = arith.index_cast %add3A_155 : i32 to index
              %swap3A_160 = arith.index_cast %mul3A_83 : i32 to index
              %swap3A_161 = tpu.vector_load %arg8[%swap3A_159, %swap3A_160] {strides = array<i32>} : memref<64x512xf32, #tpu.memory_space<vmem>>, vector<16xf32>,
              tpu.vector_store %arg8[%swap3A_159, %swap3A_160], %gather3A_158 {strides = array<i32>} : memref<64x512xf32, #tpu.memory_space<vmem>>, vector<16xf32>,
            }
            %scan3A_96 = arith.constant 8 : i32
          }
          %scan3A_72 = arith.constant 32 : i32
          %mul3A_73 = arith.constant 512 : i32
          %mul3A_74 = arith.muli %add3A_44, %mul3A_73 : i32
          %dma_start3A_75 = arith.constant 0 : i32
          %dma_start3A_76 = tpu.memref_slice %arg4[%add3A_9, %dma_start3A_75, %mul3A_74] : memref<202x64x4096xf32, #tpu.memory_space<hbm>> -> memref<1x64x512xf32, #tpu.memory_space<hbm>>
          %dma_start3A_77 = tpu.memref_squeeze %dma_start3A_76 : memref<1x64x512xf32, #tpu.memory_space<hbm>> -> memref<64x512xf32, #tpu.memory_space<hbm>>
          %dma_start3A_78 = arith.constant 0 : i32
          %dma_start3A_79 = tpu.memref_slice %arg4[%add3A_9, %dma_start3A_78, %mul3A_74] : memref<202x64x4096xf32, #tpu.memory_space<hbm>> -> memref<1x64x512xf32, #tpu.memory_space<hbm>>
          %dma_start3A_80 = tpu.memref_squeeze %dma_start3A_79 : memref<1x64x512xf32, #tpu.memory_space<hbm>> -> memref<64x512xf32, #tpu.memory_space<hbm>>
          tpu.enqueue_dma source(%arg8 : memref<64x512xf32, #tpu.memory_space<vmem>>) target(%dma_start3A_80 : memref<64x512xf32, #tpu.memory_space<hbm>>) target_semaphore(%arg10 : memref<!tpu.dma_semaphore, #tpu.memory_space<semaphore_mem>>)
        }
        %scan3A_24 = arith.constant 4 : i32
        %dma_wait3A = arith.constant 0 : i32
        %dma_wait3A_25 = arith.constant 3072 : i32
        %dma_wait3A_26 = tpu.memref_slice %arg4[%add3A_9, %dma_wait3A, %dma_wait3A_25] : memref<202x64x4096xf32, #tpu.memory_space<hbm>> -> memref<1x64x512xf32, #tpu.memory_space<hbm>>
        %dma_wait3A_27 = tpu.memref_squeeze %dma_wait3A_26 : memref<1x64x512xf32, #tpu.memory_space<hbm>> -> memref<64x512xf32, #tpu.memory_space<hbm>>
        %dma_wait3A_28 = arith.constant 0 : i32
        %dma_wait3A_29 = arith.constant 3072 : i32
        %dma_wait3A_30 = tpu.memref_slice %arg4[%add3A_9, %dma_wait3A_28, %dma_wait3A_29] : memref<202x64x4096xf32, #tpu.memory_space<hbm>> -> memref<1x64x512xf32, #tpu.memory_space<hbm>>
        %dma_wait3A_31 = tpu.memref_squeeze %dma_wait3A_30 : memref<1x64x512xf32, #tpu.memory_space<hbm>> -> memref<64x512xf32, #tpu.memory_space<hbm>>
        tpu.wait_dma2 semaphore(%arg9 : memref<!tpu.dma_semaphore, #tpu.memory_space<semaphore_mem>>) src(%arg7 : memref<64x512xf32, #tpu.memory_space<vmem>>) dst(%dma_wait3A_31 : memref<64x512xf32, #tpu.memory_space<hbm>>)
        %dma_wait3A_32 = arith.constant 0 : i32
        %dma_wait3A_33 = arith.constant 3584 : i32
        %dma_wait3A_34 = tpu.memref_slice %arg4[%add3A_9, %dma_wait3A_32, %dma_wait3A_33] : memref<202x64x4096xf32, #tpu.memory_space<hbm>> -> memref<1x64x512xf32, #tpu.memory_space<hbm>>
        %dma_wait3A_35 = tpu.memref_squeeze %dma_wait3A_34 : memref<1x64x512xf32, #tpu.memory_space<hbm>> -> memref<64x512xf32, #tpu.memory_space<hbm>>
        %dma_wait3A_36 = arith.constant 0 : i32
        %dma_wait3A_37 = arith.constant 3584 : i32
        %dma_wait3A_38 = tpu.memref_slice %arg4[%add3A_9, %dma_wait3A_36, %dma_wait3A_37] : memref<202x64x4096xf32, #tpu.memory_space<hbm>> -> memref<1x64x512xf32, #tpu.memory_space<hbm>>
        %dma_wait3A_39 = tpu.memref_squeeze %dma_wait3A_38 : memref<1x64x512xf32, #tpu.memory_space<hbm>> -> memref<64x512xf32, #tpu.memory_space<hbm>>
        tpu.wait_dma2 semaphore(%arg10 : memref<!tpu.dma_semaphore, #tpu.memory_space<semaphore_mem>>) src(%arg8 : memref<64x512xf32, #tpu.memory_space<vmem>>) dst(%dma_wait3A_39 : memref<64x512xf32, #tpu.memory_space<hbm>>)
      } else {
      }
    }
    %scan3A_5 = arith.constant 7 : i32
    return
  }
}

module attributes {stable_mosaic.version = 14 : i64} {
  func.func @_ln_table_body(%arg0: i32, %arg1: memref<200x64xf32, #tpu.memory_space<vmem>>, %arg2: memref<202x64xf32, #tpu.memory_space<vmem>>, %arg3: memref<2x64xf32, #tpu.memory_space<vmem>>, %arg4: memref<1x64xf32, #tpu.memory_space<vmem>>, %arg5: memref<1x64xf32, #tpu.memory_space<vmem>>, %arg6: memref<200x64xf32, #tpu.memory_space<vmem>>) attributes {dimension_semantics = [#tpu.dimension_semantics<arbitrary>], iteration_bounds = array<i64: 201>, scalar_prefetch = 0 : i64, scratch_operands = 0 : i64, tpu.core_type = #tpu.core_type<tc>, window_params = [{pipeline_mode = #tpu.pipeline_mode<synchronous>, transform_indices = @transform_0, window_bounds = array<i64: 200, 64>}, {pipeline_mode = #tpu.pipeline_mode<synchronous>, transform_indices = @transform_1, window_bounds = array<i64: 202, 64>}, {pipeline_mode = #tpu.pipeline_mode<synchronous>, transform_indices = @transform_2, window_bounds = array<i64: 2, 64>}, {pipeline_mode = #tpu.pipeline_mode<synchronous>, transform_indices = @transform_3, window_bounds = array<i64: 1, 64>}, {pipeline_mode = #tpu.pipeline_mode<synchronous>, transform_indices = @transform_4, window_bounds = array<i64: 1, 64>}, {transform_indices = @transform_5, window_bounds = array<i64: 200, 64>}]} {
    %add3A = arith.constant 2 : i32
    %add3A_0 = arith.addi %arg0, %add3A : i32
    %min3A = arith.constant 201 : i32
    %min3A_1 = arith.minsi %add3A_0, %min3A : i32
    %get3A = arith.index_cast %min3A_1 : i32 to index
    %get3A_2 = arith.constant 0 : index
    %get3A_3 = vector.load %arg2[%get3A, %get3A_2] : memref<202x64xf32, #tpu.memory_space<vmem>>, vector<1x64xf32>
    %get3A_4 = arith.constant 0 : index
    %get3A_5 = arith.constant 0 : index
    %get3A_6 = vector.load %arg1[%get3A_4, %get3A_5] : memref<200x64xf32, #tpu.memory_space<vmem>>, vector<200x64xf32>
    %add3A_7 = vector.broadcast %get3A_3 : vector<1x64xf32> to vector<200x64xf32>
    %add3A_8 = arith.addf %get3A_6, %add3A_7 : vector<200x64xf32>
    %get3A_9 = arith.constant 0 : index
    %get3A_10 = arith.constant 0 : index
    %get3A_11 = vector.load %arg3[%get3A_9, %get3A_10] : memref<2x64xf32, #tpu.memory_space<vmem>>, vector<1x64xf32>
    %broadcast_in_dim3A = vector.shape_cast %get3A_11 : vector<1x64xf32> to vector<1x64xf32>
    %broadcast_in_dim3A_12 = vector.broadcast %broadcast_in_dim3A : vector<1x64xf32> to vector<200x64xf32>
    %get3A_13 = arith.constant 1 : index
    %get3A_14 = arith.constant 0 : index
    %get3A_15 = vector.load %arg3[%get3A_13, %get3A_14] : memref<2x64xf32, #tpu.memory_space<vmem>>, vector<1x64xf32>
    %broadcast_in_dim3A_16 = vector.shape_cast %get3A_15 : vector<1x64xf32> to vector<1x64xf32>
    %broadcast_in_dim3A_17 = vector.broadcast %broadcast_in_dim3A_16 : vector<1x64xf32> to vector<200x64xf32>
    %iota3A = tpu.iota {dimensions = array<i32: 0>} : vector<200x64xi32>
    %eq3A = arith.constant 0 : i32
    %eq3A_18 = vector.broadcast %eq3A : i32 to vector<200x64xi32>
    %eq3A_19 = arith.cmpi eq, %iota3A, %eq3A_18 : vector<200x64xi32>
    %eq3A_20 = arith.constant 1 : i32
    %eq3A_21 = vector.broadcast %eq3A_20 : i32 to vector<200x64xi32>
    %eq3A_22 = arith.cmpi eq, %iota3A, %eq3A_21 : vector<200x64xi32>
    %jit3A = arith.constant 0.000000e+00 : f32
    %broadcast_in_dim3A_23 = vector.broadcast %jit3A : f32 to vector<200x64xf32>
    %select_n3A = arith.select %eq3A_22, %broadcast_in_dim3A_17, %broadcast_in_dim3A_23 : vector<200x64xi1>, vector<200x64xf32>
    %select_n3A_24 = arith.select %eq3A_19, %broadcast_in_dim3A_12, %select_n3A : vector<200x64xi1>, vector<200x64xf32>
    %lt3A = arith.constant 200 : i32
    %lt3A_25 = arith.cmpi slt, %arg0, %lt3A : i32
    %select_n3A_26 = arith.select %lt3A_25, %add3A_8, %select_n3A_24 : vector<200x64xf32>
    %reduce_sum3A = arith.constant dense<0.000000e+00> : vector<200xf32>
    %reduce_sum3A_27 = vector.multi_reduction <add>, %select_n3A_26, %reduce_sum3A [1] : vector<200x64xf32> to vector<200xf32>
    %broadcast_in_dim3A_28 = vector.shape_cast %reduce_sum3A_27 : vector<200xf32> to vector<200x1xf32>
    %div3A = arith.constant 6.400000e+01 : f32
    %div3A_29 = vector.broadcast %div3A : f32 to vector<200x1xf32>
    %div3A_30 = arith.divf %broadcast_in_dim3A_28, %div3A_29 : vector<200x1xf32>
    %sub3A = vector.broadcast %div3A_30 : vector<200x1xf32> to vector<200x64xf32>
    %sub3A_31 = arith.subf %select_n3A_26, %sub3A : vector<200x64xf32>
    %square3A = arith.mulf %sub3A_31, %sub3A_31 : vector<200x64xf32>
    %reduce_sum3A_32 = arith.constant dense<0.000000e+00> : vector<200xf32>
    %reduce_sum3A_33 = vector.multi_reduction <add>, %square3A, %reduce_sum3A_32 [1] : vector<200x64xf32> to vector<200xf32>
    %broadcast_in_dim3A_34 = vector.shape_cast %reduce_sum3A_33 : vector<200xf32> to vector<200x1xf32>
    %div3A_35 = arith.constant 6.400000e+01 : f32
    %div3A_36 = vector.broadcast %div3A_35 : f32 to vector<200x1xf32>
    %div3A_37 = arith.divf %broadcast_in_dim3A_34, %div3A_36 : vector<200x1xf32>
    %sub3A_38 = vector.broadcast %div3A_30 : vector<200x1xf32> to vector<200x64xf32>
    %sub3A_39 = arith.subf %select_n3A_26, %sub3A_38 : vector<200x64xf32>
    %add3A_40 = arith.constant 9.99999974E-6 : f32
    %add3A_41 = vector.broadcast %add3A_40 : f32 to vector<200x1xf32>
    %add3A_42 = arith.addf %div3A_37, %add3A_41 : vector<200x1xf32>
    %rsqrt3A = math.rsqrt %add3A_42 : vector<200x1xf32>
    %mul3A = vector.broadcast %rsqrt3A : vector<200x1xf32> to vector<200x64xf32>
    %mul3A_43 = arith.mulf %sub3A_39, %mul3A : vector<200x64xf32>
    %get3A_44 = arith.constant 0 : index
    %get3A_45 = arith.constant 0 : index
    %get3A_46 = vector.load %arg4[%get3A_44, %get3A_45] : memref<1x64xf32, #tpu.memory_space<vmem>>, vector<1x64xf32>
    %mul3A_47 = vector.broadcast %get3A_46 : vector<1x64xf32> to vector<200x64xf32>
    %mul3A_48 = arith.mulf %mul3A_43, %mul3A_47 : vector<200x64xf32>
    %get3A_49 = arith.constant 0 : index
    %get3A_50 = arith.constant 0 : index
    %get3A_51 = vector.load %arg5[%get3A_49, %get3A_50] : memref<1x64xf32, #tpu.memory_space<vmem>>, vector<1x64xf32>
    %add3A_52 = vector.broadcast %get3A_51 : vector<1x64xf32> to vector<200x64xf32>
    %add3A_53 = arith.addf %mul3A_48, %add3A_52 : vector<200x64xf32>
    %swap3A = arith.constant 0 : index
    %swap3A_54 = arith.constant 0 : index
    %swap3A_55 = vector.load %arg6[%swap3A, %swap3A_54] : memref<200x64xf32, #tpu.memory_space<vmem>>, vector<200x64xf32>
    tpu.vector_store %arg6[%swap3A, %swap3A_54], %add3A_53 {strides = array<i32>} : memref<200x64xf32, #tpu.memory_space<vmem>>, vector<200x64xf32>,
    return
  }
  func.func @transform_0(%arg0: i32) -> (i32, i32) {
    %c0_i32 = arith.constant 0 : i32
    %c0_i32_0 = arith.constant 0 : i32
    %c0_i32_1 = arith.constant 0 : i32
    return %c0_i32, %c0_i32_0 : i32, i32
  }
  func.func @transform_1(%arg0: i32) -> (i32, i32) {
    %c0_i32 = arith.constant 0 : i32
    %c0_i32_0 = arith.constant 0 : i32
    %c0_i32_1 = arith.constant 0 : i32
    return %c0_i32, %c0_i32_0 : i32, i32
  }
  func.func @transform_2(%arg0: i32) -> (i32, i32) {
    %c0_i32 = arith.constant 0 : i32
    %c0_i32_0 = arith.constant 0 : i32
    %c0_i32_1 = arith.constant 0 : i32
    return %c0_i32, %c0_i32_0 : i32, i32
  }
  func.func @transform_3(%arg0: i32) -> (i32, i32) {
    %c0_i32 = arith.constant 0 : i32
    %c0_i32_0 = arith.constant 0 : i32
    %c0_i32_1 = arith.constant 0 : i32
    return %c0_i32, %c0_i32_0 : i32, i32
  }
  func.func @transform_4(%arg0: i32) -> (i32, i32) {
    %c0_i32 = arith.constant 0 : i32
    %c0_i32_0 = arith.constant 0 : i32
    %c0_i32_1 = arith.constant 0 : i32
    return %c0_i32, %c0_i32_0 : i32, i32
  }
  func.func @transform_5(%arg0: i32) -> (i32, i32) {
    %c0_i32 = arith.constant 0 : i32
    %c0_i32_0 = arith.constant 0 : i32
    return %arg0, %c0_i32 : i32, i32
  }
}

</mosaic_0001>

<sc_bundles>
// kernel: kernel.4.cloned.1.call-start
scs
__scs_entry_jumppad:
0x0: {  	(pc) =	sbr.rel $0x88, $3  }
0x1: {  	(tag) =	ssettag $0x0;
	lr =	simm.s32 $0x1  }
0x2: {  	[smem:$0x3F9A] =	sst lr;
	_ =	strace $0xD0000000  }
0x3: {  	_ = 	snop  }
0x4: {  	_ = 	snop  }
0x5: {  	_ = 	snop  }
0x6: {  	_ = 	snop  }
0x7: {  	_ = 	snop  }
__scs_overlays_trampoline_lowered:
0x8: {  	[smem:$0x3FA9] =	sst s0  }
0x9: {  	[smem:$0x3FAA] =	sst s1  }
0xa: {  	[smem:$0x3FAB] =	sst s2  }
0xb: {  	[smem:$0x3FAC] =	sst s3  }
0xc: {  	[smem:$0x3FAD] =	sst s4  }
0xd: {  	[smem:$0x3FAE] =	sst s5  }
0xe: {  	[smem:$0x3FAF] =	sst s6  }
0xf: {  	[smem:$0x3FB0] =	sst s7  }
0x10: {  	[smem:$0x3FB1] =	sst s8  }
0x11: {  	[smem:$0x3FB2] =	sst s9;
	s0 =	simm.s32 @!p0 $0x0  }
0x12: {  	s1 =	sld [smem:$0x3F98];
	s0 =	simm.s32 @p0 $0x1  }
0x13: {  	[smem:$0x3FB3] =	sst s0;
	s0 =	simm.s32 @!p1 $0x0  }
0x14: {  	s2 =	sld [smem:$0x3F97];
	s0 =	simm.s32 @p1 $0x1  }
0x15: {  	[smem:$0x3FB4] =	sst s0;
	s0 =	simm.s32 @!p2 $0x0  }
0x16: {  	s3 =	sld [smem:$0x3FDB];
	s0 =	simm.s32 @p2 $0x1  }
0x17: {  	s4 =	simm.s32 $0x1BF5;
	[smem:$0x3FB6] =	sst s0  }
0x18: {  	s0 =	sld [smem:$0x3F99];
	_ =	swait.ge [sflag:s4], $0x0  }
0x19: {  	s7 =	sld [smem:$0x3F9A]  }
0x1a: {  	s8 =	sadd.s32 $0xFFFFE003, lr  }
0x1b: {  	s9 =	sadd.s32 $0xFFFFFEF7, lr;
	s5 =	simm.s32 $0xFFFFFFFF;
	p2 =	slt.u32 s8, $0xFFFFF086  }
0x1c: {  	p1 =	slt.u32 s9, $0xF7A;
	s5 =	simm.s32 @!p2 $0x0  }
0x1d: {  	s5 =	simm.s32 @p1 $0x1;
	p0 =	seq.s32 s7, s2  }
0x1e: {  	s7 =	smul.u32 @!p0 $0xF7A, s2;
	p2 =	seq.s32 @!p0 s5, $0x0  }
0x1f: {  	s9 =	smul.u32 $0xF7A, s1;
	s8 =	simm.s32 @!p0 $0x1BF5;
	p2 =	por !p2, p0  }
0x20: {  	[sflag:s8] =	ssyncset.s32 @!p0 $0xFFFFF086;
	s6 =	sadd.s32 @!p0 s3, s7;
	s7 =	simm.s32 @!p0 $0x108  }
0x21: {  	s3 =	sadd.s32 s3, s9;
	s6 =	sadd.s32 @!p0 $0x88, s6;
	s7 =	simm.s32 @p2 $0x1082  }
0x22: {  	[simem:s7], [sflag:s8] =	dma.local @!p0 [hbm:s6], $0xF7A  }
0x23: {  	s9 =	sor.u32 $0xD0000000, s2;
	s6 =	simm.s32 $0x108;
	_ =	swait.ge @!p0 [sflag:s8], $0x0  }
0x24: {  	s3 =	sadd.s32 $0x88, s3;
	s6 =	simm.s32 @!p1 $0x1082;
	[sflag:s4] =	ssyncset.s32 $0xFFFFF086  }
0x25: {  	[simem:s6], [sflag:s4] =	dma.local [hbm:s3], $0xF7A  }
0x26: {  	[smem:$0x3F9A] =	sst s1;
	(tag) =	ssettag s2;
	_ =	strace s9  }
0x27: {  	s1 =	sld [smem:$0x3FAA]  }
0x28: {  	s2 =	sld [smem:$0x3FAB]  }
0x29: {  	s4 =	sld [smem:$0x3FAD]  }
0x2a: {  	p0 =	seq.s32 s5, $0x0;
	s5 =	sld [smem:$0x3FAE]  }
0x2b: {  	s6 =	sld [smem:$0x3FAF]  }
0x2c: {  	s7 =	sld [smem:$0x3FB0]  }
0x2d: {  	s3 =	simm.s32 $0x108;
	s8 =	sld [smem:$0x3FB1]  }
0x2e: {  	s3 =	simm.s32 @!p0 $0x1082;
	s9 =	sld [smem:$0x3FB2]  }
0x2f: {  	lr =	sadd.s32 s0, s3;
	s0 =	sld [smem:$0x3FA9]  }
0x30: {  	s3 =	sld [smem:$0x3FAC]  }
0x31: {  	[smem:$0x3FB5] =	sst s10  }
0x32: {  	s10 =	sld [smem:$0x3FB3];
	_ =	sdelay $0x3  }
0x33: {  	p0 =	seq.s32 s10, $0x1;
	s10 =	sld [smem:$0x3FB5];
	_ =	sdelay $0x3  }
0x34: {  	[smem:$0x3FB5] =	sst s10  }
0x35: {  	s10 =	sld [smem:$0x3FB4];
	_ =	sdelay $0x3  }
0x36: {  	p1 =	seq.s32 s10, $0x1;
	s10 =	sld [smem:$0x3FB5];
	_ =	sdelay $0x3  }
0x37: {  	[smem:$0x3FB5] =	sst s10  }
0x38: {  	s10 =	sld [smem:$0x3FB6]  }
0x39: {  	_ = 	snop;
	(pc) =	sbr.ind lr, $3  }
0x3a: {  	_ = 	snop  }
0x3b: {  	_ = 	snop  }
0x3c: {  	p2 =	seq.s32 s10, $0x1;
	s10 =	sld [smem:$0x3FB5]  }
0x3d: {  	_ =	shalt  }
0x3e: {  	_ =	shalt  }
0x3f: {  	_ =	shalt  }
0x40: {  	_ =	shalt  }
0x41: {  	_ =	shalt  }
0x42: {  	_ =	shalt  }
0x43: {  	_ =	shalt  }
0x44: {  	_ =	shalt  }
0x45: {  	_ =	shalt  }
0x46: {  	_ =	shalt  }
0x47: {  	_ =	shalt  }
0x48: {  	_ =	shalt  }
0x49: {  	_ =	shalt  }
0x4a: {  	_ =	shalt  }
0x4b: {  	_ =	shalt  }
0x4c: {  	_ =	shalt  }
0x4d: {  	_ =	shalt  }
0x4e: {  	_ =	shalt  }
0x4f: {  	_ =	shalt  }
0x50: {  	_ =	shalt  }
0x51: {  	_ =	shalt  }
0x52: {  	_ =	shalt  }
0x53: {  	_ =	shalt  }
0x54: {  	_ =	shalt  }
0x55: {  	_ =	shalt  }
0x56: {  	_ =	shalt  }
0x57: {  	_ =	shalt  }
0x58: {  	_ =	shalt  }
0x59: {  	_ =	shalt  }
0x5a: {  	_ =	shalt  }
0x5b: {  	_ =	shalt  }
0x5c: {  	_ =	shalt  }
0x5d: {  	_ =	shalt  }
0x5e: {  	_ =	shalt  }
0x5f: {  	_ =	shalt  }
0x60: {  	_ =	shalt  }
0x61: {  	_ =	shalt  }
0x62: {  	_ =	shalt  }
0x63: {  	_ =	shalt  }
0x64: {  	_ =	shalt  }
0x65: {  	_ =	shalt  }
0x66: {  	_ =	shalt  }
0x67: {  	_ =	shalt  }
0x68: {  	_ =	shalt  }
0x69: {  	_ =	shalt  }
0x6a: {  	_ =	shalt  }
0x6b: {  	_ =	shalt  }
0x6c: {  	_ =	shalt  }
0x6d: {  	_ =	shalt  }
0x6e: {  	_ =	shalt  }
0x6f: {  	_ =	shalt  }
0x70: {  	_ =	shalt  }
0x71: {  	_ =	shalt  }
0x72: {  	_ =	shalt  }
0x73: {  	_ =	shalt  }
0x74: {  	_ =	shalt  }
0x75: {  	_ =	shalt  }
0x76: {  	_ =	shalt  }
0x77: {  	_ =	shalt  }
0x78: {  	_ =	shalt  }
0x79: {  	_ =	shalt  }
0x7a: {  	_ =	shalt  }
0x7b: {  	_ =	shalt  }
0x7c: {  	_ =	shalt  }
0x7d: {  	_ =	shalt  }
0x7e: {  	_ =	shalt  }
0x7f: {  	_ =	shalt  }
0x80: {  	_ =	shalt  }
0x81: {  	_ =	shalt  }
0x82: {  	_ =	shalt  }
0x83: {  	_ =	shalt  }
0x84: {  	_ =	shalt  }
0x85: {  	_ =	shalt  }
0x86: {  	_ =	shalt  }
0x87: {  	_ =	shalt  }
.Lfunc_end0:
.L_simem_size_0:
called_computation_lowered:
.L_overlay_start_0:
0x88: {  	s2 =	sld [smem:$0x3FD9]  }
0x89: {  	s3 =	sld [smem:$0x3FFE];
	_ =	sdelay $0x1  }
0x8a: {  	s1 =	srdreg.scid  }
0x8b: {  	s0 =	sand.u32 $0x1, s1  }
0x8c: {  	s17 =	sshll.u32 s0, $0xA;
	s2 =	sadd.s32 s3, s2  }
0x8d: {  	s2 =	sadd.s32 s2, s17  }
0x8e: {  	[smem:$0x3FC1] =	sst s2  }
0x8f: {  	_ = 	snop  }
0x90: {  	s2 =	sld [smem:$0x3FD0];
	(tm) =	ssettm $0x1  }
0x91: {  	s18 =	sld [smem:$0x3FFB];
	_ =	sdelay $0x3  }
0x92: {  	_ =	strace s18  }
0x93: {  	s3 =	sld [smem:$0x3FFC];
	_ =	sdelay $0x3  }
0x94: {  	_ =	strace s3  }
0x95: {  	s3 =	sld [smem:$0x3FFD];
	_ =	sdelay $0x3  }
0x96: {  	_ =	strace s3  }
0x97: {  	_ =	strace $0x8FFFFFFF  }
0x98: {  	s19 =	sld [smem:$0x3FDB];
	_ =	sdelay $0x1  }
0x99: {  	s4 =	simm.s32 $_scs_section_size  }
0x9a: {  	s5 =	simm.s32 $_size__tile_overlayer_lowered;
	s6 =	simm.s32 $_tile_overlayer_lowered  }
0x9b: {  	s22 =	simm.s32 $0x1BFF;
	s21 =	sshll.u32 s6, $0x1;
	s3 =	sadd.s32 s4, s19  }
0x9c: {  	s7 =	simm.s32 $0x0;
	s20 =	sshll.u32 s5, $0x1;
	s5 =	sadd.s32 s21, s3  }
0x9d: {  	[timem:s7], [sflag:s22] =	dma.local [hbm:s5], s20  }
0x9e: {  	_ =	swait.ge [sflag:s22], s20  }
0x9f: {  	s4 =	ssub.s32 $0x0, s20;
	[sflag:s22] =	ssyncset.done $0x0  }
0xa0: {  	[sflag:s22] =	ssyncadd.s32 s4;
	_ =	sdelay $0x1  }
0xa1: {  	s23 =	simm.s32 $0x1B8B  }
0xa2: {  	_ =	swait.ge [sflag:s23], $0x1  }
0xa3: {  	[sflag:s23] =	ssyncset.done $0x0  }
0xa4: {  	s25 =	simm.s32 $0x1B8E;
	s24 =	sld [smem:$0x3FFE];
	[sflag:s23] =	ssyncadd.s32 $0xFFFFFFFF  }
0xa5: {  	s26 =	simm.s32 $execute0_lowered;
	[smem:$0x3FD2] =	sst s25  }
0xa6: {  	s5 =	sshll.u32 s26, $0x1;
	_ =	strace $0x80000046;
	[dreg:$0x1] =	wrdreg $0xFFFFFFFF  }
0xa7: {  	s28 =	simm.s32 $_size_execute0_lowered;
	s3 =	sadd.s32 s3, s5;
	[dreg:$0x0] =	wrdreg $0x0  }
0xa8: {  	s5 =	sshll.u32 s28, $0x1;
	[dreg:$0x2] =	wrdreg s3  }
0xa9: {  	[dreg:$0x3] =	wrdreg s5  }
0xaa: {  	[dreg:$0x4] =	wrdreg $0xC0  }
0xab: {  	_ =	task [dreg:s7], $0x5FFFF  }
0xac: {  	[dreg:$0x1] =	wrdreg $0xFFFFFFFF  }
0xad: {  	[dreg:$0x0] =	wrdreg $0x60  }
0xae: {  	[dreg:$0x2] =	wrdreg s24  }
0xaf: {  	[dreg:$0x3] =	wrdreg s2  }
0xb0: {  	[dreg:$0x4] =	wrdreg $0x9  }
0xb1: {  	_ =	task.clear_ibuf [dreg:s7], $0x5FFFF;
	_ =	strace $0x90000046  }
0xb2: {  	s29 =	simm.s32 $0x9;
	_ =	strace $0x80000048  }
0xb3: {  	_ =	swait.ge [sflag:s29], $0x1  }
0xb4: {  	[sflag:s29] =	ssyncadd.s32 $0xFFFFFFFF  }
0xb5: {  	_ =	strace $0x90000048  }
0xb6: {  	_ =	sfence  }
0xb7: {  	s30 =	sld [smem:$0x0];
	_ =	sdelay $0x2  }
0xb8: {  	s31 =	sshll.u32 s1, $0xD;
	s1 =	sshrl.u32 s1, $0x2  }
0xb9: {  	s3 =	sand.u32 $0x4000, s31;
	s1 =	sadd.s32 s1, s30  }
0xba: {  	s0 =	sor.u32 s3, s0;
	s1 =	sshll.u32 s1, $0x11  }
0xbb: {  	s0 =	sor.u32 s1, s0  }
0xbc: {  	s0 =	sadd.s32 $0x8F2B, s0  }
0xbd: {  	[sflag:s0] =	ssyncadd.remote.s32 $0x1  }
0xbe: {  	_ =	sfence.sel $0xFFFF  }
0xbf: {  	[dreg:$0x0] =	wrdreg $0xFFFFFFFF;
	(pc) =	sbr.abs _section_cstart, $3  }
0xc0: {  	[dreg:$0x1] =	wrdreg $0xFFFFFFFF  }
0xc1: {  	_ =	task.clear_ibuf [dreg:s7], $0x2FFFF;
	_ =	strace $0x9FFFFFFF  }
0xc2: {  	(tm) =	ssettm $0x7FFFFFFF  }
0xc3: {  	_ =	shalt  }
tec
execute0_lowered:
.L_overlay_start_1:
0x0: {  	(tag) =	ssettag $0x1  }
0x1: {  	s1 =	srdreg.scid;
	s5 =	rddreg [dreg:$0x0]  }
0x2: {  	s0 =	stileid.u32;
	s2 =	rddreg [dreg:$0x1];
	s4 =	simm.s32 $0x0  }
0x3: {  	s9 =	simm.s32 $0x80;
	s10 =	simm.s32 $0x400;
	s11 =	simm.s32 $0x3200  }
0x4: {  	s12 =	simm.s32 $0x1000;
	s13 =	simm.s32 $0x8000;
	s14 =	simm.s32 $0x4200  }
0x5: {  	s15 =	simm.s32 $0xC200;
	s16 =	simm.s32 $0x1;
	s17 =	simm.s32 $0x2  }
0x6: {  	s18 =	simm.s32 $0x0;
	s6 =	sand.u32 $0x1, s1;
	s31 =	sshll.u32 s0, $0x1  }
.Ltmp0:
0x7: {  	s1 =	rddreg [dreg:$0x2];
	s3 =	sor.u32 s6, s31;
	(pc) =	sbr.rel .LBB2_1-.Ltmp0, $4  }
0x8: {  	[smem:$0x7FF] =	sst s4;
	s6 =	ssub.s32 $0x2, s6;
	s7 =	sshll.u32 s3, $0x4  }
0x9: {  	_ =	strace $0x80000047;
	s8 =	sshrl.u32 s6, $0x1;
	s7 =	sand.u32 $0x70, s7  }
0xa: {  	s8 =	ssub.s32 s6, s8;
	s7 =	sadd.s32 s7, s5;
	s5 =	sadd.s32 $0x600, s5  }
0xb: {  	s6 =	sadd.s32 $0x4F000, s7;
	s7 =	smax.u32 s8, $0x1;
	s8 =	simm.s32 $0x3  }
.LBB2_15:
0xc: {  	s18 =	sadd.s32 $0x1, s18  }
0xd: {  	p0 =	sne.s32 s18, s7  }
.Ltmp1:
0xe: {  	_ = 	snop;
	(pc) =	sbr.rel @!p0 .LBB2_16-.Ltmp1, $1  }
0xf: {  	_ =	sdelay $0x3  }
.LBB2_1:
.Ltmp2:
0x10: {  	(pc) =	sbr.rel .LBB2_2-.Ltmp2, $2  }
0x11: {  	_ =	sdelay $0x2  }
0x12: {  	s19 =	simm.s32 $0x0  }
.LBB2_14:
0x13: {  	s19 =	sadd.s32 $0x1, s19  }
0x14: {  	p0 =	sne.s32 s19, $0x7  }
.Ltmp3:
0x15: {  	_ = 	snop;
	(pc) =	sbr.rel @!p0 .LBB2_15-.Ltmp3, $1  }
0x16: {  	_ =	sdelay $0x3  }
.LBB2_2:
0x17: {  	s20 =	sshll.u32 s19, $0x5  }
0x18: {  	s21 =	sor.u32 s3, s20  }
0x19: {  	p0 =	sgt.u32 s21, $0xC9  }
.Ltmp4:
0x1a: {  	_ = 	snop;
	(pc) =	sbr.rel @p0 .LBB2_14-.Ltmp4, $1  }
0x1b: {  	_ =	sdelay $0x3  }
0x1c: {  	s20 =	smul.u32 $0x3200, s21;
	_ =	sdelay $0x1  }
0x1d: {  	s20 =	sadd.s32 $0xFFFF9C00, s20  }
0x1e: {  	p0 =	slt.u32 s21, $0x2;
	s20 =	sshrl.u32 s20, $0x3  }
0x1f: {  	s20 =	simm.s32 @p0 $0x4E200  }
0x20: {  	s22 =	sadd.s32 s5, s20;
	s20 =	simm.s32 $0x0  }
0x21: {  	[tilespmem:s20], [sflag:$0x3] =	stream.linear.gather [hbm4b:s22+s20], $0x3200, $0x38;
	[tilespmem:$0x14200] =	vst v63  }
0x22: {  	s31 =	sshll.u32 s21, $0x9;
	_ =	swait.ge [sflag:s8], $0x3200  }
0x23: {  	s22 =	sand.u32 $0x1F000, s31;
	[sflag:s8] =	ssyncset.done $0x0  }
0x24: {  	s22 =	sadd.s32 s22, s6;
	[sflag:s8] =	ssyncadd.s32 $0xFFFFCE00  }
0x25: {  	[tilespmem:s11], [sflag:$0x3] =	stream.strided.gather [hbm4b:s22+s9], $0x1000, s10, s9, $0x38;
	[tilespmem:$0x14200] =	vst v63  }
0x26: {  	_ =	swait.ge [sflag:s8], $0x1000  }
0x27: {  	[sflag:s8] =	ssyncset.done $0x0  }
0x28: {  	s21 =	sshll.u32 s21, $0x12;
	[sflag:s8] =	ssyncadd.s32 $0xFFFFF000  }
.LBB2_4:
0x29: {  	p0 =	seq.s32 s20, $0x0  }
0x2a: {  	s22 =	sshll.u32 s20, $0xA;
	s23 =	simm.s32 @!p0 $0x1  }
0x2b: {  	s25 =	simm.s32 $0x0;
	s26 =	simm.s32 $0x0;
	_ =	swait.ge @!p0 [sflag:s23], $0x8000  }
0x2c: {  	s24 =	sand.u32 $0x3FFFFC00, s22;
	s22 =	sshllo.u32 s20, $0x1;
	[sflag:s23] =	ssyncset.done @!p0 $0x0  }
0x2d: {  	[sflag:s23] =	ssyncadd.s32 @!p0 $0xFFFF8000;
	s23 =	sadd.s32 $0x3200, s24;
	s24 =	simm.s32 $0x0  }
.LBB2_5:
0x2e: {  	s28 =	sshll.u32 s26, $0x4  }
0x2f: {  	s29 =	sand.u32 $0x180, s28  }
0x30: {  	s28 =	sand.u32 $0x70, s28;
	s29 =	sadd.s32 s29, s23  }
0x31: {  	s28 =	sadd.s32 s28, s29  }
0x32: {  	v0 =	vld [tilespmem:s28+$0x0];
	_ =	sdelay $0x4  }
0x33: {  	s28 =	simm.s32 $0x0;
	v0 =	vshll.u32 v0, $0x6  }
0x34: {  	v1 =	vor.u32 s28, v0;
	_ =	sdelay $0x4  }
0x35: {  	s30 =	simm.s32 $0x1;
	s29 =	sand.u32 $0x7, s24;
	s28 =	sshll.u32 s25, $0x2;
	v1 =	vld.idx.msk [tilespmem:v1+s4+$0x0], $0xffff  }
0x36: {  	s29 =	sshll.u32 s29, $0x6;
	v2 =	vor.u32 s30, v0;
	s28 =	sand.u32 $0xFFFFF000, s28  }
0x37: {  	s28 =	sor.u32 s29, s28  }
0x38: {  	s28 =	sshrl.u32 s28, $0x2  }
0x39: {  	s28 =	sadd.s32 $0x4400, s28  }
0x3a: {  	[tilespmem:s28+$0xFFFFFE00] =	vst v1  }
0x3b: {  	s29 =	simm.s32 $0x2;
	v1 =	vld.idx.msk [tilespmem:v2+s4+$0x0], $0xffff  }
0x3c: {  	v2 =	vor.u32 s29, v0;
	_ =	sdelay $0x3  }
0x3d: {  	[tilespmem:s28+$0xFFFFFE80] =	vst v1  }
0x3e: {  	s29 =	simm.s32 $0x3;
	v1 =	vld.idx.msk [tilespmem:v2+s4+$0x0], $0xffff  }
0x3f: {  	v2 =	vor.u32 s29, v0;
	_ =	sdelay $0x3  }
0x40: {  	[tilespmem:s28+$0xFFFFFF00] =	vst v1  }
0x41: {  	s29 =	simm.s32 $0x4;
	v1 =	vld.idx.msk [tilespmem:v2+s4+$0x0], $0xffff  }
0x42: {  	v2 =	vor.u32 s29, v0;
	_ =	sdelay $0x3  }
0x43: {  	[tilespmem:s28+$0xFFFFFF80] =	vst v1  }
0x44: {  	s29 =	simm.s32 $0x5;
	v1 =	vld.idx.msk [tilespmem:v2+s4+$0x0], $0xffff  }
0x45: {  	v2 =	vor.u32 s29, v0;
	_ =	sdelay $0x3  }
0x46: {  	[tilespmem:s28+$0x0] =	vst v1  }
0x47: {  	s29 =	simm.s32 $0x6;
	v1 =	vld.idx.msk [tilespmem:v2+s4+$0x0], $0xffff  }
0x48: {  	v2 =	vor.u32 s29, v0;
	_ =	sdelay $0x3  }
0x49: {  	[tilespmem:s28+$0x80] =	vst v1  }
0x4a: {  	s29 =	simm.s32 $0x7;
	v1 =	vld.idx.msk [tilespmem:v2+s4+$0x0], $0xffff  }
0x4b: {  	v2 =	vor.u32 s29, v0;
	_ =	sdelay $0x3  }
0x4c: {  	[tilespmem:s28+$0x100] =	vst v1  }
0x4d: {  	s31 =	simm.s32 $0x8;
	s30 =	simm.s32 $0x17;
	s29 =	simm.s32 $0xF;
	v1 =	vld.idx.msk [tilespmem:v2+s4+$0x0], $0xffff  }
.LBB2_6:
0x4e: {  	p1 =	sne.s32 s30, $0x3F;
	v2 =	vor.u32 s31, v0;
	_ =	sdelay $0x3  }
0x4f: {  	[tilespmem:s28+$0x180] =	vst v1  }
0x50: {  	v1 =	vld.idx.msk [tilespmem:v2+s4+$0x0], $0xffff  }
0x51: {  	s31 =	sadd.s32 $0xFFFFFFFA, s29  }
0x52: {  	v2 =	vor.u32 s31, v0;
	_ =	sdelay $0x2  }
0x53: {  	s28 =	sadd.s32 $0x1000, s28  }
0x54: {  	[tilespmem:s28+$0xFFFFFE00] =	vst v1  }
0x55: {  	v1 =	vld.idx.msk [tilespmem:v2+s4+$0x0], $0xffff  }
0x56: {  	s31 =	sadd.s32 $0xFFFFFFFB, s29  }
0x57: {  	v2 =	vor.u32 s31, v0;
	_ =	sdelay $0x3  }
0x58: {  	[tilespmem:s28+$0xFFFFFE80] =	vst v1  }
0x59: {  	v1 =	vld.idx.msk [tilespmem:v2+s4+$0x0], $0xffff  }
0x5a: {  	s31 =	sadd.s32 $0xFFFFFFFC, s29  }
0x5b: {  	v2 =	vor.u32 s31, v0;
	_ =	sdelay $0x3  }
0x5c: {  	[tilespmem:s28+$0xFFFFFF00] =	vst v1  }
0x5d: {  	v1 =	vld.idx.msk [tilespmem:v2+s4+$0x0], $0xffff  }
0x5e: {  	s31 =	sadd.s32 $0xFFFFFFFD, s29  }
0x5f: {  	v2 =	vor.u32 s31, v0;
	_ =	sdelay $0x3  }
0x60: {  	[tilespmem:s28+$0xFFFFFF80] =	vst v1  }
0x61: {  	v1 =	vld.idx.msk [tilespmem:v2+s4+$0x0], $0xffff  }
0x62: {  	s31 =	sadd.s32 $0xFFFFFFFE, s29  }
0x63: {  	v2 =	vor.u32 s31, v0;
	_ =	sdelay $0x3  }
0x64: {  	[tilespmem:s28+$0x0] =	vst v1  }
0x65: {  	v1 =	vld.idx.msk [tilespmem:v2+s4+$0x0], $0xffff  }
0x66: {  	s31 =	sadd.s32 $0xFFFFFFFF, s29  }
0x67: {  	v2 =	vor.u32 s31, v0;
	_ =	sdelay $0x3  }
0x68: {  	[tilespmem:s28+$0x80] =	vst v1  }
0x69: {  	v1 =	vld.idx.msk [tilespmem:v2+s4+$0x0], $0xffff;
	_ =	sdelay $0x1  }
0x6a: {  	v2 =	vor.u32 s29, v0;
	s29 =	smov.u32 s30;
	_ =	sdelay $0x1  }
.Ltmp5:
0x6b: {  	(pc) =	sbr.rel @p1 .LBB2_6-.Ltmp5, $4  }
0x6c: {  	_ = 	snop  }
0x6d: {  	[tilespmem:s28+$0x100] =	vst v1  }
0x6e: {  	v1 =	vld.idx.msk [tilespmem:v2+s4+$0x0], $0xffff  }
0x6f: {  	s30 =	sadd.s32 $0x8, s30;
	s31 =	sadd.s32 $0xFFFFFFF9, s29  }
0x70: {  	v2 =	vor.u32 s31, v0;
	_ =	sdelay $0x3  }
0x71: {  	[tilespmem:s28+$0x180] =	vst v1  }
0x72: {  	s30 =	sadd.s32 $0xFFFFFFFA, s29;
	v1 =	vld.idx.msk [tilespmem:v2+s4+$0x0], $0xffff  }
0x73: {  	v57 =	vor.u32 s30, v0;
	_ =	sdelay $0x2  }
0x74: {  	s28 =	sadd.s32 $0x1000, s28  }
0x75: {  	[tilespmem:s28+$0xFFFFFE00] =	vst v1  }
0x76: {  	s31 =	sadd.s32 $0xFFFFFFFB, s29;
	v1 =	vld.idx.msk [tilespmem:v57+s4+$0x0], $0xffff  }
0x77: {  	v58 =	vor.u32 s31, v0;
	_ =	sdelay $0x3  }
0x78: {  	[tilespmem:s28+$0xFFFFFE80] =	vst v1  }
0x79: {  	s31 =	sadd.s32 $0xFFFFFFFC, s29;
	v1 =	vld.idx.msk [tilespmem:v58+s4+$0x0], $0xffff  }
0x7a: {  	v59 =	vor.u32 s31, v0;
	_ =	sdelay $0x3  }
0x7b: {  	[tilespmem:s28+$0xFFFFFF00] =	vst v1  }
0x7c: {  	s31 =	sadd.s32 $0xFFFFFFFD, s29;
	v1 =	vld.idx.msk [tilespmem:v59+s4+$0x0], $0xffff  }
0x7d: {  	v60 =	vor.u32 s31, v0;
	_ =	sdelay $0x3  }
0x7e: {  	[tilespmem:s28+$0xFFFFFF80] =	vst v1  }
0x7f: {  	s31 =	sadd.s32 $0xFFFFFFFE, s29;
	v1 =	vld.idx.msk [tilespmem:v60+s4+$0x0], $0xffff  }
0x80: {  	v61 =	vor.u32 s31, v0;
	_ =	sdelay $0x3  }
0x81: {  	[tilespmem:s28+$0x0] =	vst v1  }
0x82: {  	s31 =	sadd.s32 $0xFFFFFFFF, s29;
	v1 =	vld.idx.msk [tilespmem:v61+s4+$0x0], $0xffff  }
0x83: {  	v62 =	vor.u32 s31, v0;
	_ =	sdelay $0x3  }
0x84: {  	[tilespmem:s28+$0x80] =	vst v1  }
0x85: {  	v1 =	vld.idx.msk [tilespmem:v62+s4+$0x0], $0xffff  }
0x86: {  	v63 =	vor.u32 s29, v0;
	_ =	sdelay $0x3  }
0x87: {  	s26 =	sadd.s32 $0x1, s26;
	[tilespmem:s28+$0x100] =	vst v1  }
0x88: {  	p1 =	sne.s32 s26, $0x20;
	v0 =	vld.idx.msk [tilespmem:v63+s4+$0x0], $0xffff  }
.Ltmp6:
0x89: {  	_ = 	snop;
	(pc) =	sbr.rel @p1 .LBB2_5-.Ltmp6, $2  }
0x8a: {  	_ =	sdelay $0x2  }
0x8b: {  	s25 =	sadd.s32 $0x80, s25;
	s24 =	sadd.s32 $0x1, s24;
	[tilespmem:s28+$0x180] =	vst v0  }
0x8c: {  	s23 =	sshll.u32 s20, $0xD  }
0x8d: {  	s23 =	sadd.s32 s21, s23  }
0x8e: {  	s23 =	sshrl.u32 s23, $0x3  }
0x8f: {  	s23 =	sadd.s32 s2, s23  }
0x90: {  	[hbm4b:s23+s12] =	stream.strided.scatter [tilespmem:s14], [sflag:$0x1], $0x8000, s13, s12, $0x38;
	[tilespmem:$0x14200] =	vst v63  }
0x91: {  	s23 =	simm.s32 @!p0 $0x2  }
0x92: {  	s24 =	sshll.u32 s22, $0x9;
	s25 =	simm.s32 $0x0;
	_ =	swait.ge @!p0 [sflag:s23], $0x8000  }
0x93: {  	s26 =	simm.s32 $0x0;
	s24 =	sand.u32 $0x3FFFFE00, s24;
	[sflag:s23] =	ssyncset.done @!p0 $0x0  }
0x94: {  	[sflag:s23] =	ssyncadd.s32 @!p0 $0xFFFF8000;
	s23 =	sadd.s32 $0x3200, s24;
	s24 =	simm.s32 $0x0  }
.LBB2_9:
0x95: {  	s28 =	sshll.u32 s26, $0x4  }
0x96: {  	s29 =	sand.u32 $0x180, s28  }
0x97: {  	s28 =	sand.u32 $0x70, s28;
	s29 =	sadd.s32 s29, s23  }
0x98: {  	s28 =	sadd.s32 s28, s29  }
0x99: {  	v0 =	vld [tilespmem:s28+$0x0];
	_ =	sdelay $0x4  }
0x9a: {  	s28 =	simm.s32 $0x0;
	v0 =	vshll.u32 v0, $0x6  }
0x9b: {  	v1 =	vor.u32 s28, v0;
	_ =	sdelay $0x4  }
0x9c: {  	s30 =	simm.s32 $0x1;
	s29 =	sand.u32 $0x7, s24;
	s28 =	sshll.u32 s25, $0x2;
	v1 =	vld.idx.msk [tilespmem:v1+s4+$0x0], $0xffff  }
0x9d: {  	s29 =	sshll.u32 s29, $0x6;
	v2 =	vor.u32 s30, v0;
	s28 =	sand.u32 $0xFFFFF000, s28  }
0x9e: {  	s28 =	sor.u32 s29, s28  }
0x9f: {  	s28 =	sshrl.u32 s28, $0x2  }
0xa0: {  	s28 =	sadd.s32 $0xC400, s28  }
0xa1: {  	[tilespmem:s28+$0xFFFFFE00] =	vst v1  }
0xa2: {  	s29 =	simm.s32 $0x2;
	v1 =	vld.idx.msk [tilespmem:v2+s4+$0x0], $0xffff  }
0xa3: {  	v2 =	vor.u32 s29, v0;
	_ =	sdelay $0x3  }
0xa4: {  	[tilespmem:s28+$0xFFFFFE80] =	vst v1  }
0xa5: {  	s29 =	simm.s32 $0x3;
	v1 =	vld.idx.msk [tilespmem:v2+s4+$0x0], $0xffff  }
0xa6: {  	v2 =	vor.u32 s29, v0;
	_ =	sdelay $0x3  }
0xa7: {  	[tilespmem:s28+$0xFFFFFF00] =	vst v1  }
0xa8: {  	s29 =	simm.s32 $0x4;
	v1 =	vld.idx.msk [tilespmem:v2+s4+$0x0], $0xffff  }
0xa9: {  	v2 =	vor.u32 s29, v0;
	_ =	sdelay $0x3  }
0xaa: {  	[tilespmem:s28+$0xFFFFFF80] =	vst v1  }
0xab: {  	s29 =	simm.s32 $0x5;
	v1 =	vld.idx.msk [tilespmem:v2+s4+$0x0], $0xffff  }
0xac: {  	v2 =	vor.u32 s29, v0;
	_ =	sdelay $0x3  }
0xad: {  	[tilespmem:s28+$0x0] =	vst v1  }
0xae: {  	s29 =	simm.s32 $0x6;
	v1 =	vld.idx.msk [tilespmem:v2+s4+$0x0], $0xffff  }
0xaf: {  	v2 =	vor.u32 s29, v0;
	_ =	sdelay $0x3  }
0xb0: {  	[tilespmem:s28+$0x80] =	vst v1  }
0xb1: {  	s29 =	simm.s32 $0x7;
	v1 =	vld.idx.msk [tilespmem:v2+s4+$0x0], $0xffff  }
0xb2: {  	v2 =	vor.u32 s29, v0;
	_ =	sdelay $0x3  }
0xb3: {  	[tilespmem:s28+$0x100] =	vst v1  }
0xb4: {  	s31 =	simm.s32 $0x8;
	s30 =	simm.s32 $0x17;
	s29 =	simm.s32 $0xF;
	v1 =	vld.idx.msk [tilespmem:v2+s4+$0x0], $0xffff  }
.LBB2_10:
0xb5: {  	p0 =	sne.s32 s30, $0x3F;
	v2 =	vor.u32 s31, v0;
	_ =	sdelay $0x3  }
0xb6: {  	[tilespmem:s28+$0x180] =	vst v1  }
0xb7: {  	v1 =	vld.idx.msk [tilespmem:v2+s4+$0x0], $0xffff  }
0xb8: {  	s31 =	sadd.s32 $0xFFFFFFFA, s29  }
0xb9: {  	v2 =	vor.u32 s31, v0;
	_ =	sdelay $0x2  }
0xba: {  	s28 =	sadd.s32 $0x1000, s28  }
0xbb: {  	[tilespmem:s28+$0xFFFFFE00] =	vst v1  }
0xbc: {  	v1 =	vld.idx.msk [tilespmem:v2+s4+$0x0], $0xffff  }
0xbd: {  	s31 =	sadd.s32 $0xFFFFFFFB, s29  }
0xbe: {  	v2 =	vor.u32 s31, v0;
	_ =	sdelay $0x3  }
0xbf: {  	[tilespmem:s28+$0xFFFFFE80] =	vst v1  }
0xc0: {  	v1 =	vld.idx.msk [tilespmem:v2+s4+$0x0], $0xffff  }
0xc1: {  	s31 =	sadd.s32 $0xFFFFFFFC, s29  }
0xc2: {  	v2 =	vor.u32 s31, v0;
	_ =	sdelay $0x3  }
0xc3: {  	[tilespmem:s28+$0xFFFFFF00] =	vst v1  }
0xc4: {  	v1 =	vld.idx.msk [tilespmem:v2+s4+$0x0], $0xffff  }
0xc5: {  	s31 =	sadd.s32 $0xFFFFFFFD, s29  }
0xc6: {  	v2 =	vor.u32 s31, v0;
	_ =	sdelay $0x3  }
0xc7: {  	[tilespmem:s28+$0xFFFFFF80] =	vst v1  }
0xc8: {  	v1 =	vld.idx.msk [tilespmem:v2+s4+$0x0], $0xffff  }
0xc9: {  	s31 =	sadd.s32 $0xFFFFFFFE, s29  }
0xca: {  	v2 =	vor.u32 s31, v0;
	_ =	sdelay $0x3  }
0xcb: {  	[tilespmem:s28+$0x0] =	vst v1  }
0xcc: {  	v1 =	vld.idx.msk [tilespmem:v2+s4+$0x0], $0xffff  }
0xcd: {  	s31 =	sadd.s32 $0xFFFFFFFF, s29  }
0xce: {  	v2 =	vor.u32 s31, v0;
	_ =	sdelay $0x3  }
0xcf: {  	[tilespmem:s28+$0x80] =	vst v1  }
0xd0: {  	v1 =	vld.idx.msk [tilespmem:v2+s4+$0x0], $0xffff;
	_ =	sdelay $0x1  }
0xd1: {  	v2 =	vor.u32 s29, v0;
	s29 =	smov.u32 s30;
	_ =	sdelay $0x1  }
.Ltmp7:
0xd2: {  	(pc) =	sbr.rel @p0 .LBB2_10-.Ltmp7, $4  }
0xd3: {  	_ = 	snop  }
0xd4: {  	[tilespmem:s28+$0x100] =	vst v1  }
0xd5: {  	v1 =	vld.idx.msk [tilespmem:v2+s4+$0x0], $0xffff  }
0xd6: {  	s30 =	sadd.s32 $0x8, s30;
	s31 =	sadd.s32 $0xFFFFFFF9, s29  }
0xd7: {  	v2 =	vor.u32 s31, v0;
	_ =	sdelay $0x3  }
0xd8: {  	[tilespmem:s28+$0x180] =	vst v1  }
0xd9: {  	s30 =	sadd.s32 $0xFFFFFFFA, s29;
	v1 =	vld.idx.msk [tilespmem:v2+s4+$0x0], $0xffff  }
0xda: {  	v57 =	vor.u32 s30, v0;
	_ =	sdelay $0x2  }
0xdb: {  	s28 =	sadd.s32 $0x1000, s28  }
0xdc: {  	[tilespmem:s28+$0xFFFFFE00] =	vst v1  }
0xdd: {  	s31 =	sadd.s32 $0xFFFFFFFB, s29;
	v1 =	vld.idx.msk [tilespmem:v57+s4+$0x0], $0xffff  }
0xde: {  	v58 =	vor.u32 s31, v0;
	_ =	sdelay $0x3  }
0xdf: {  	[tilespmem:s28+$0xFFFFFE80] =	vst v1  }
0xe0: {  	s31 =	sadd.s32 $0xFFFFFFFC, s29;
	v1 =	vld.idx.msk [tilespmem:v58+s4+$0x0], $0xffff  }
0xe1: {  	v59 =	vor.u32 s31, v0;
	_ =	sdelay $0x3  }
0xe2: {  	[tilespmem:s28+$0xFFFFFF00] =	vst v1  }
0xe3: {  	s31 =	sadd.s32 $0xFFFFFFFD, s29;
	v1 =	vld.idx.msk [tilespmem:v59+s4+$0x0], $0xffff  }
0xe4: {  	v60 =	vor.u32 s31, v0;
	_ =	sdelay $0x3  }
0xe5: {  	[tilespmem:s28+$0xFFFFFF80] =	vst v1  }
0xe6: {  	s31 =	sadd.s32 $0xFFFFFFFE, s29;
	v1 =	vld.idx.msk [tilespmem:v60+s4+$0x0], $0xffff  }
0xe7: {  	v61 =	vor.u32 s31, v0;
	_ =	sdelay $0x3  }
0xe8: {  	[tilespmem:s28+$0x0] =	vst v1  }
0xe9: {  	s31 =	sadd.s32 $0xFFFFFFFF, s29;
	v1 =	vld.idx.msk [tilespmem:v61+s4+$0x0], $0xffff  }
0xea: {  	v62 =	vor.u32 s31, v0;
	_ =	sdelay $0x3  }
0xeb: {  	[tilespmem:s28+$0x80] =	vst v1  }
0xec: {  	v1 =	vld.idx.msk [tilespmem:v62+s4+$0x0], $0xffff  }
0xed: {  	v63 =	vor.u32 s29, v0;
	_ =	sdelay $0x3  }
0xee: {  	s26 =	sadd.s32 $0x1, s26;
	[tilespmem:s28+$0x100] =	vst v1  }
0xef: {  	p0 =	sne.s32 s26, $0x20;
	v0 =	vld.idx.msk [tilespmem:v63+s4+$0x0], $0xffff  }
.Ltmp8:
0xf0: {  	_ = 	snop;
	(pc) =	sbr.rel @p0 .LBB2_9-.Ltmp8, $2  }
0xf1: {  	_ =	sdelay $0x2  }
0xf2: {  	s25 =	sadd.s32 $0x80, s25;
	s24 =	sadd.s32 $0x1, s24;
	[tilespmem:s28+$0x180] =	vst v0  }
0xf3: {  	s20 =	sadd.s32 $0x1, s20  }
0xf4: {  	p0 =	sne.s32 s20, $0x4  }
.Ltmp9:
0xf5: {  	s22 =	sshll.u32 s22, $0xC;
	(pc) =	sbr.rel @p0 .LBB2_4-.Ltmp9, $4  }
0xf6: {  	s22 =	sadd.s32 s21, s22  }
0xf7: {  	s22 =	sshrl.u32 s22, $0x3  }
0xf8: {  	s22 =	sadd.s32 s2, s22  }
0xf9: {  	[hbm4b:s22+s12] =	stream.strided.scatter [tilespmem:s15], [sflag:$0x2], $0x8000, s13, s12, $0x38;
	[tilespmem:$0x14200] =	vst v63  }
0xfa: {  	_ =	swait.ge [sflag:s16], $0x8000  }
.Ltmp10:
0xfb: {  	[sflag:s16] =	ssyncset.done $0x0;
	(pc) =	sbr.rel .LBB2_14-.Ltmp10, $4  }
0xfc: {  	[sflag:s16] =	ssyncadd.s32 $0xFFFF8000  }
0xfd: {  	_ =	swait.ge [sflag:s17], $0x8000  }
0xfe: {  	[sflag:s17] =	ssyncset.done $0x0  }
0xff: {  	[sflag:s17] =	ssyncadd.s32 $0xFFFF8000  }
.LBB2_16:
0x100: {  	_ =	sfence.sel $0x180000  }
0x101: {  	[bflag:$0x0] =	sbarrier.arrive $0xFFFF  }
0x102: {  	p0 =	sne.s32 s0, $0x0;
	_ =	strace $0x90000047  }
0x103: {  	s0 =	sadd.s32 @!p0 $0x100000, s1;
	[bflag:$0x2] =	sbarrier.arrive $0xFFFF  }
0x104: {  	[sflag:s0] =	ssyncadd.tile.s32 @!p0 $0x1;
	_ =	shalt  }
.Lfunc_end2:
_tile_overlayer_lowered:
.L_overlay_start_2:
0x105: {  	(tag) =	ssettag $0x2  }
0x106: {  	s0 =	rddreg [dreg:$0x0];
	s2 =	stileid.u32  }
0x107: {  	s1 =	rddreg [dreg:$0x1];
	p0 =	sne.s32 s2, $0x0  }
0x108: {  	s3 =	rddreg [dreg:$0x2];
	[bflag:$0x3] =	sbarrier.arrive $0xFFFF;
	s2 =	simm.s32 @!p0 $0x1C03  }
0x109: {  	[timem:s3], [sflag:s2] =	dma.local @!p0 [hbm:s0], s1  }
0x10a: {  	s0 =	simm.s32 @!p0 $0x3  }
0x10b: {  	_ =	swait.ge @!p0 [sflag:s0], s1  }
0x10c: {  	s1 =	ssub.s32 @!p0 $0x0, s1;
	[sflag:s0] =	ssyncset.done @!p0 $0x0  }
0x10d: {  	[sflag:s0] =	ssyncadd.s32 @!p0 s1  }
0x10e: {  	[bflag:$0x3] =	sbarrier.arrive $0xFFFF  }
0x10f: {  	_ =	shalt  }

</sc_bundles>
